<compile_context>
chip_gen: v7x
topology: tpu7x:2x2x1
jax: 0.10.2.dev20260603
libtpu: 0.0.44.dev20260713+nightly
codegen_flags: <defaults>
</compile_context>

<pallas_src>
import functools

import jax
import jax.numpy as jnp
from jax import lax
from jax.experimental import pallas as pl
from jax.experimental.pallas import tpu as pltpu
from jax.experimental.pallas import tpu_sc as plsc

_NC = 2
_NS = 16
_NW = _NC * _NS
_LANES = 16


def _make_sc_sum(B, L, V, E):
    bpw = B // _NW
    assert B % _NW == 0 and E % _LANES == 0 and bpw % 128 == 0

    mesh = plsc.VectorSubcoreMesh(core_axis_name="c", subcore_axis_name="s")

    @functools.partial(
        pl.kernel,
        out_type=jax.ShapeDtypeStruct((B, E), jnp.float32),
        mesh=mesh,
        scratch_types=[
            pltpu.VMEM((L, bpw), jnp.int32),
            pltpu.VMEM((bpw, E), jnp.float32),
            pltpu.VMEM((bpw, E), jnp.float32),
            pltpu.SemaphoreType.DMA,
            pltpu.SemaphoreType.DMA,
        ],
    )
    def sc_sum(xT_hbm, embed_hbm, sum_hbm, idx_v, acc_v, acc2_v, sem, sem2):
        wid = lax.axis_index("s") * _NC + lax.axis_index("c")
        base = wid * bpw

        head = 8
        pltpu.sync_copy(
            xT_hbm.at[pl.ds(0, head), pl.ds(base, bpw)], idx_v.at[pl.ds(0, head)]
        )
        d0 = pltpu.async_copy(embed_hbm.at[idx_v.at[0]], acc_v, sem)
        d1 = pltpu.async_copy(embed_hbm.at[idx_v.at[1]], acc2_v, sem2)
        pltpu.sync_copy(
            xT_hbm.at[pl.ds(head, L - head), pl.ds(base, bpw)],
            idx_v.at[pl.ds(head, L - head)],
        )
        d0.wait()
        d1.wait()
        descs = [
            pltpu.async_copy(
                embed_hbm.at[idx_v.at[jj]],
                acc_v if jj % 2 == 0 else acc2_v,
                sem if jj % 2 == 0 else sem2,
                add=True,
            )
            for jj in range(2, L)
        ]
        for d in descs:
            d.wait()

        def mbody(r, carry):
            for c in range(0, E, _LANES):
                acc_v[r, pl.ds(c, _LANES)] = (
                    acc_v[r, pl.ds(c, _LANES)] + acc2_v[r, pl.ds(c, _LANES)]
                )
            return carry

        lax.fori_loop(0, bpw, mbody, 0)

        pltpu.sync_copy(acc_v, sum_hbm.at[pl.ds(base, bpw), :])

    return sc_sum


def _make_mlp(B, L, E, H, N):
    BK = 2048

    def body(sum_ref, x_ref, w1_ref, b1_ref, w2_ref, b2_ref, out_ref):
        s = sum_ref[...]
        cnt = jnp.sum(
            (x_ref[...] != 0).astype(jnp.float32), axis=1, keepdims=True
        )
        avg = s * (1.0 / jnp.maximum(cnt, 1e-6))
        h = lax.dot_general(
            avg, w1_ref[...], (((1,), (0,)), ((), ())),
            preferred_element_type=jnp.float32,
        ) + b1_ref[...]
        h = jnp.maximum(h, 0.0)
        out_ref[...] = lax.dot_general(
            h, w2_ref[...], (((1,), (0,)), ((), ())),
            preferred_element_type=jnp.float32,
        ) + b2_ref[...]

    return pl.pallas_call(
        body,
        grid=(B // BK,),
        in_specs=[
            pl.BlockSpec((BK, E), lambda i: (i, 0)),
            pl.BlockSpec((BK, L), lambda i: (i, 0)),
            pl.BlockSpec((E, H), lambda i: (0, 0)),
            pl.BlockSpec((1, H), lambda i: (0, 0)),
            pl.BlockSpec((H, N), lambda i: (0, 0)),
            pl.BlockSpec((1, N), lambda i: (0, 0)),
        ],
        out_specs=pl.BlockSpec((BK, N), lambda i: (i, 0)),
        out_shape=jax.ShapeDtypeStruct((B, N), jnp.float32),
    )


def kernel(x, embed, W1, b1, W2, b2):
    B, L = x.shape
    V, E = embed.shape
    H = W1.shape[1]
    N = W2.shape[1]

    xi = x.astype(jnp.int32)
    xT = jnp.transpose(xi)
    summed = _make_sc_sum(B, L, V, E)(xT, embed)

    return _make_mlp(B, L, E, H, N)(
        summed, xi, W1, b1.reshape(1, H), W2, b2.reshape(1, N)
    )

# --- scband reference (transcript-rebuilt; emitter-appended) ---
"""Pipeline reference for scband-avg-emb-classifier-88648124990944 (READ-ONLY COPY).

The authoritative reference and input builder live on the scoring server;
editing this copy changes nothing except your own understanding.
"""

import jax, jax.numpy as jnp
import numpy as np

VOCAB = 100000
EMB = 128
HID = 128
NUM_CLASSES = 100
B = 4096
L = 50

def setup_inputs(seed: int = 0) -> dict:
    key = jax.random.key(seed)
    k1, k2, k3, k4 = jax.random.split(key, 4)
    x = jax.random.randint(k1, (B, L), 0, VOCAB, dtype=jnp.int64) if jax.config.jax_enable_x64 else jax.random.randint(k1, (B, L), 0, VOCAB, dtype=jnp.int32)
    embed = jax.random.normal(k2, (VOCAB, EMB), dtype=jnp.float32)
    embed = embed.at[0].set(0.0)  # padding_idx=0
    W1 = jax.random.normal(k3, (EMB, HID), dtype=jnp.float32) * 0.05
    b1 = jnp.zeros((HID,), dtype=jnp.float32)
    W2 = jax.random.normal(k4, (HID, NUM_CLASSES), dtype=jnp.float32) * 0.05
    b2 = jnp.zeros((NUM_CLASSES,), dtype=jnp.float32)
    return {"x": x, "embed": embed, "W1": W1, "b1": b1, "W2": W2, "b2": b2}

def reference(x, embed, W1, b1, W2, b2):
    mask = (x != 0).astype(jnp.float32)[:, :, None]
    emb = jnp.take(embed, x, axis=0)
    summed = (emb * mask).sum(axis=1)
    avg = summed / jnp.clip(mask.sum(axis=1), 1e-06)
    h = jnp.maximum(avg @ W1 + b1, 0.0)
    out = h @ W2 + b2
    return out

if __name__ == "__main__":
    import jax
    _d = setup_inputs()
    print(jax.jit(kernel)(*tuple(_d.values())))

</pallas_src>

<mosaic_0001>
#map = affine_map<(d0, d1) -> (0, 0)>
module attributes {stable_mosaic.version = 14 : i64} {
  func.func @sc_sum(%arg0: i32, %arg1: i32, %arg2: memref<50x4096xi32, #tpu.memory_space<hbm>>, %arg3: memref<100000x128xf32, #tpu.memory_space<hbm>>, %arg4: memref<4096x128xf32, #tpu.memory_space<hbm>>, %arg5: memref<50x128xi32, #tpu.memory_space<vmem>>, %arg6: memref<128x128xf32, #tpu.memory_space<vmem>>, %arg7: memref<128x128xf32, #tpu.memory_space<vmem>>, %arg8: memref<!tpu.dma_semaphore, #tpu.memory_space<semaphore_mem>>, %arg9: memref<!tpu.dma_semaphore, #tpu.memory_space<semaphore_mem>>) attributes {dimension_semantics = [#tpu.dimension_semantics<core_parallel>, #tpu.dimension_semantics<subcore_parallel>], iteration_bounds = array<i64: 2, 16>, scalar_prefetch = 0 : i64, scratch_operands = 5 : i64, tpu.core_type = #tpu.core_type<sc_vector_subcore>, window_params = [{transform_indices = #map}, {transform_indices = #map}, {transform_indices = #map}]} {
    %mul3A = arith.constant 2 : i32
    %mul3A_0 = arith.muli %arg1, %mul3A : i32
    %add3A = arith.addi %mul3A_0, %arg0 : i32
    %mul3A_1 = arith.constant 128 : i32
    %mul3A_2 = arith.muli %add3A, %mul3A_1 : i32
    "tpu.region"() ({
      %run_scoped3A = tpu.sem_alloc : memref<!tpu.dma_semaphore, #tpu.memory_space<semaphore_mem>>
      %dma_start3A_706 = arith.constant 0 : i32
      %dma_start3A_707 = arith.constant 0 : i32
      %dma_start3A_708 = tpu.memref_slice %arg5[%dma_start3A_706, %dma_start3A_707] : memref<50x128xi32, #tpu.memory_space<vmem>> -> memref<8x128xi32, #tpu.memory_space<vmem>>
      %dma_start3A_709 = arith.constant 0 : i32
      %dma_start3A_710 = tpu.memref_slice %arg2[%dma_start3A_709, %mul3A_2] : memref<50x4096xi32, #tpu.memory_space<hbm>> -> memref<8x128xi32, #tpu.memory_space<hbm>>
      %dma_start3A_711 = arith.constant 0 : i32
      %dma_start3A_712 = arith.constant 0 : i32
      %dma_start3A_713 = tpu.memref_slice %arg5[%dma_start3A_711, %dma_start3A_712] : memref<50x128xi32, #tpu.memory_space<vmem>> -> memref<8x128xi32, #tpu.memory_space<vmem>>
      %dma_start3A_714 = arith.constant 0 : i32
      %dma_start3A_715 = tpu.memref_slice %arg2[%dma_start3A_714, %mul3A_2] : memref<50x4096xi32, #tpu.memory_space<hbm>> -> memref<8x128xi32, #tpu.memory_space<hbm>>
      tpu.enqueue_dma source(%dma_start3A_715 : memref<8x128xi32, #tpu.memory_space<hbm>>) target(%dma_start3A_713 : memref<8x128xi32, #tpu.memory_space<vmem>>) target_semaphore(%run_scoped3A : memref<!tpu.dma_semaphore, #tpu.memory_space<semaphore_mem>>)
      %dma_wait3A_716 = arith.constant 0 : i32
      %dma_wait3A_717 = arith.constant 0 : i32
      %dma_wait3A_718 = tpu.memref_slice %arg5[%dma_wait3A_716, %dma_wait3A_717] : memref<50x128xi32, #tpu.memory_space<vmem>> -> memref<8x128xi32, #tpu.memory_space<vmem>>
      %dma_wait3A_719 = arith.constant 0 : i32
      %dma_wait3A_720 = tpu.memref_slice %arg2[%dma_wait3A_719, %mul3A_2] : memref<50x4096xi32, #tpu.memory_space<hbm>> -> memref<8x128xi32, #tpu.memory_space<hbm>>
      %dma_wait3A_721 = arith.constant 0 : i32
      %dma_wait3A_722 = arith.constant 0 : i32
      %dma_wait3A_723 = tpu.memref_slice %arg5[%dma_wait3A_721, %dma_wait3A_722] : memref<50x128xi32, #tpu.memory_space<vmem>> -> memref<8x128xi32, #tpu.memory_space<vmem>>
      %dma_wait3A_724 = arith.constant 0 : i32
      %dma_wait3A_725 = tpu.memref_slice %arg2[%dma_wait3A_724, %mul3A_2] : memref<50x4096xi32, #tpu.memory_space<hbm>> -> memref<8x128xi32, #tpu.memory_space<hbm>>
      tpu.wait_dma2 semaphore(%run_scoped3A : memref<!tpu.dma_semaphore, #tpu.memory_space<semaphore_mem>>) src(%dma_wait3A_725 : memref<8x128xi32, #tpu.memory_space<hbm>>) dst(%dma_wait3A_723 : memref<8x128xi32, #tpu.memory_space<vmem>>)
      tpu.yield
    }) : () -> ()
    %dma_start3A = arith.constant 0 : i32
    %dma_start3A_3 = arith.constant 0 : i32
    %dma_start3A_4 = tpu.memref_slice %arg5[%dma_start3A, %dma_start3A_3] : memref<50x128xi32, #tpu.memory_space<vmem>> -> memref<1x128xi32, #tpu.memory_space<vmem>>
    %dma_start3A_5 = tpu.memref_squeeze %dma_start3A_4 : memref<1x128xi32, #tpu.memory_space<vmem>> -> memref<128xi32, #tpu.memory_space<vmem>>
    %dma_start3A_6 = arith.constant 0 : i32
    %dma_start3A_7 = arith.constant 0 : i32
    %dma_start3A_8 = tpu.memref_slice %arg3[%dma_start3A_6, %dma_start3A_7] : memref<100000x128xf32, #tpu.memory_space<hbm>> -> memref<100000x128xf32, #tpu.memory_space<hbm>>
    tpu.enqueue_indirect_dma source(%dma_start3A_8 : memref<100000x128xf32, #tpu.memory_space<hbm>>) target(%arg6 : memref<128x128xf32, #tpu.memory_space<vmem>>) offsets(%dma_start3A_5 : memref<128xi32, #tpu.memory_space<vmem>>) semaphore(%arg8 : memref<!tpu.dma_semaphore, #tpu.memory_space<semaphore_mem>>)
    %dma_start3A_9 = arith.constant 1 : i32
    %dma_start3A_10 = arith.constant 0 : i32
    %dma_start3A_11 = tpu.memref_slice %arg5[%dma_start3A_9, %dma_start3A_10] : memref<50x128xi32, #tpu.memory_space<vmem>> -> memref<1x128xi32, #tpu.memory_space<vmem>>
    %dma_start3A_12 = tpu.memref_squeeze %dma_start3A_11 : memref<1x128xi32, #tpu.memory_space<vmem>> -> memref<128xi32, #tpu.memory_space<vmem>>
    %dma_start3A_13 = arith.constant 0 : i32
    %dma_start3A_14 = arith.constant 0 : i32
    %dma_start3A_15 = tpu.memref_slice %arg3[%dma_start3A_13, %dma_start3A_14] : memref<100000x128xf32, #tpu.memory_space<hbm>> -> memref<100000x128xf32, #tpu.memory_space<hbm>>
    tpu.enqueue_indirect_dma source(%dma_start3A_15 : memref<100000x128xf32, #tpu.memory_space<hbm>>) target(%arg7 : memref<128x128xf32, #tpu.memory_space<vmem>>) offsets(%dma_start3A_12 : memref<128xi32, #tpu.memory_space<vmem>>) semaphore(%arg9 : memref<!tpu.dma_semaphore, #tpu.memory_space<semaphore_mem>>)
    "tpu.region"() ({
      %run_scoped3A = tpu.sem_alloc : memref<!tpu.dma_semaphore, #tpu.memory_space<semaphore_mem>>
      %dma_start3A_706 = arith.constant 8 : i32
      %dma_start3A_707 = arith.constant 0 : i32
      %dma_start3A_708 = tpu.memref_slice %arg5[%dma_start3A_706, %dma_start3A_707] : memref<50x128xi32, #tpu.memory_space<vmem>> -> memref<42x128xi32, #tpu.memory_space<vmem>>
      %dma_start3A_709 = arith.constant 8 : i32
      %dma_start3A_710 = tpu.memref_slice %arg2[%dma_start3A_709, %mul3A_2] : memref<50x4096xi32, #tpu.memory_space<hbm>> -> memref<42x128xi32, #tpu.memory_space<hbm>>
      %dma_start3A_711 = arith.constant 8 : i32
      %dma_start3A_712 = arith.constant 0 : i32
      %dma_start3A_713 = tpu.memref_slice %arg5[%dma_start3A_711, %dma_start3A_712] : memref<50x128xi32, #tpu.memory_space<vmem>> -> memref<42x128xi32, #tpu.memory_space<vmem>>
      %dma_start3A_714 = arith.constant 8 : i32
      %dma_start3A_715 = tpu.memref_slice %arg2[%dma_start3A_714, %mul3A_2] : memref<50x4096xi32, #tpu.memory_space<hbm>> -> memref<42x128xi32, #tpu.memory_space<hbm>>
      tpu.enqueue_dma source(%dma_start3A_715 : memref<42x128xi32, #tpu.memory_space<hbm>>) target(%dma_start3A_713 : memref<42x128xi32, #tpu.memory_space<vmem>>) target_semaphore(%run_scoped3A : memref<!tpu.dma_semaphore, #tpu.memory_space<semaphore_mem>>)
      %dma_wait3A_716 = arith.constant 8 : i32
      %dma_wait3A_717 = arith.constant 0 : i32
      %dma_wait3A_718 = tpu.memref_slice %arg5[%dma_wait3A_716, %dma_wait3A_717] : memref<50x128xi32, #tpu.memory_space<vmem>> -> memref<42x128xi32, #tpu.memory_space<vmem>>
      %dma_wait3A_719 = arith.constant 8 : i32
      %dma_wait3A_720 = tpu.memref_slice %arg2[%dma_wait3A_719, %mul3A_2] : memref<50x4096xi32, #tpu.memory_space<hbm>> -> memref<42x128xi32, #tpu.memory_space<hbm>>
      %dma_wait3A_721 = arith.constant 8 : i32
      %dma_wait3A_722 = arith.constant 0 : i32
      %dma_wait3A_723 = tpu.memref_slice %arg5[%dma_wait3A_721, %dma_wait3A_722] : memref<50x128xi32, #tpu.memory_space<vmem>> -> memref<42x128xi32, #tpu.memory_space<vmem>>
      %dma_wait3A_724 = arith.constant 8 : i32
      %dma_wait3A_725 = tpu.memref_slice %arg2[%dma_wait3A_724, %mul3A_2] : memref<50x4096xi32, #tpu.memory_space<hbm>> -> memref<42x128xi32, #tpu.memory_space<hbm>>
      tpu.wait_dma2 semaphore(%run_scoped3A : memref<!tpu.dma_semaphore, #tpu.memory_space<semaphore_mem>>) src(%dma_wait3A_725 : memref<42x128xi32, #tpu.memory_space<hbm>>) dst(%dma_wait3A_723 : memref<42x128xi32, #tpu.memory_space<vmem>>)
      tpu.yield
    }) : () -> ()
    %dma_wait3A = arith.constant 0 : i32
    %dma_wait3A_16 = arith.constant 0 : i32
    %dma_wait3A_17 = tpu.memref_slice %arg5[%dma_wait3A, %dma_wait3A_16] : memref<50x128xi32, #tpu.memory_space<vmem>> -> memref<1x128xi32, #tpu.memory_space<vmem>>
    %dma_wait3A_18 = tpu.memref_squeeze %dma_wait3A_17 : memref<1x128xi32, #tpu.memory_space<vmem>> -> memref<128xi32, #tpu.memory_space<vmem>>
    %dma_wait3A_19 = arith.constant 0 : i32
    %dma_wait3A_20 = arith.constant 0 : i32
    %dma_wait3A_21 = tpu.memref_slice %arg3[%dma_wait3A_19, %dma_wait3A_20] : memref<100000x128xf32, #tpu.memory_space<hbm>> -> memref<100000x128xf32, #tpu.memory_space<hbm>>
    tpu.wait_indirect_dma semaphore(%arg8 : memref<!tpu.dma_semaphore, #tpu.memory_space<semaphore_mem>>) src(%dma_wait3A_21 : memref<100000x128xf32, #tpu.memory_space<hbm>>) dst(%arg6 : memref<128x128xf32, #tpu.memory_space<vmem>>)
    %dma_wait3A_22 = arith.constant 1 : i32
    %dma_wait3A_23 = arith.constant 0 : i32
    %dma_wait3A_24 = tpu.memref_slice %arg5[%dma_wait3A_22, %dma_wait3A_23] : memref<50x128xi32, #tpu.memory_space<vmem>> -> memref<1x128xi32, #tpu.memory_space<vmem>>
    %dma_wait3A_25 = tpu.memref_squeeze %dma_wait3A_24 : memref<1x128xi32, #tpu.memory_space<vmem>> -> memref<128xi32, #tpu.memory_space<vmem>>
    %dma_wait3A_26 = arith.constant 0 : i32
    %dma_wait3A_27 = arith.constant 0 : i32
    %dma_wait3A_28 = tpu.memref_slice %arg3[%dma_wait3A_26, %dma_wait3A_27] : memref<100000x128xf32, #tpu.memory_space<hbm>> -> memref<100000x128xf32, #tpu.memory_space<hbm>>
    tpu.wait_indirect_dma semaphore(%arg9 : memref<!tpu.dma_semaphore, #tpu.memory_space<semaphore_mem>>) src(%dma_wait3A_28 : memref<100000x128xf32, #tpu.memory_space<hbm>>) dst(%arg7 : memref<128x128xf32, #tpu.memory_space<vmem>>)
    %dma_start3A_29 = arith.constant 2 : i32
    %dma_start3A_30 = arith.constant 0 : i32
    %dma_start3A_31 = tpu.memref_slice %arg5[%dma_start3A_29, %dma_start3A_30] : memref<50x128xi32, #tpu.memory_space<vmem>> -> memref<1x128xi32, #tpu.memory_space<vmem>>
    %dma_start3A_32 = tpu.memref_squeeze %dma_start3A_31 : memref<1x128xi32, #tpu.memory_space<vmem>> -> memref<128xi32, #tpu.memory_space<vmem>>
    %dma_start3A_33 = arith.constant 0 : i32
    %dma_start3A_34 = arith.constant 0 : i32
    %dma_start3A_35 = tpu.memref_slice %arg3[%dma_start3A_33, %dma_start3A_34] : memref<100000x128xf32, #tpu.memory_space<hbm>> -> memref<100000x128xf32, #tpu.memory_space<hbm>>
    tpu.enqueue_indirect_dma source(%dma_start3A_35 : memref<100000x128xf32, #tpu.memory_space<hbm>>) target(%arg6 : memref<128x128xf32, #tpu.memory_space<vmem>>) offsets(%dma_start3A_32 : memref<128xi32, #tpu.memory_space<vmem>>) semaphore(%arg8 : memref<!tpu.dma_semaphore, #tpu.memory_space<semaphore_mem>>) {add = true}
    %dma_start3A_36 = arith.constant 3 : i32
    %dma_start3A_37 = arith.constant 0 : i32
    %dma_start3A_38 = tpu.memref_slice %arg5[%dma_start3A_36, %dma_start3A_37] : memref<50x128xi32, #tpu.memory_space<vmem>> -> memref<1x128xi32, #tpu.memory_space<vmem>>
    %dma_start3A_39 = tpu.memref_squeeze %dma_start3A_38 : memref<1x128xi32, #tpu.memory_space<vmem>> -> memref<128xi32, #tpu.memory_space<vmem>>
    %dma_start3A_40 = arith.constant 0 : i32
    %dma_start3A_41 = arith.constant 0 : i32
    %dma_start3A_42 = tpu.memref_slice %arg3[%dma_start3A_40, %dma_start3A_41] : memref<100000x128xf32, #tpu.memory_space<hbm>> -> memref<100000x128xf32, #tpu.memory_space<hbm>>
    tpu.enqueue_indirect_dma source(%dma_start3A_42 : memref<100000x128xf32, #tpu.memory_space<hbm>>) target(%arg7 : memref<128x128xf32, #tpu.memory_space<vmem>>) offsets(%dma_start3A_39 : memref<128xi32, #tpu.memory_space<vmem>>) semaphore(%arg9 : memref<!tpu.dma_semaphore, #tpu.memory_space<semaphore_mem>>) {add = true}
    %dma_start3A_43 = arith.constant 4 : i32
    %dma_start3A_44 = arith.constant 0 : i32
    %dma_start3A_45 = tpu.memref_slice %arg5[%dma_start3A_43, %dma_start3A_44] : memref<50x128xi32, #tpu.memory_space<vmem>> -> memref<1x128xi32, #tpu.memory_space<vmem>>
    %dma_start3A_46 = tpu.memref_squeeze %dma_start3A_45 : memref<1x128xi32, #tpu.memory_space<vmem>> -> memref<128xi32, #tpu.memory_space<vmem>>
    %dma_start3A_47 = arith.constant 0 : i32
    %dma_start3A_48 = arith.constant 0 : i32
    %dma_start3A_49 = tpu.memref_slice %arg3[%dma_start3A_47, %dma_start3A_48] : memref<100000x128xf32, #tpu.memory_space<hbm>> -> memref<100000x128xf32, #tpu.memory_space<hbm>>
    tpu.enqueue_indirect_dma source(%dma_start3A_49 : memref<100000x128xf32, #tpu.memory_space<hbm>>) target(%arg6 : memref<128x128xf32, #tpu.memory_space<vmem>>) offsets(%dma_start3A_46 : memref<128xi32, #tpu.memory_space<vmem>>) semaphore(%arg8 : memref<!tpu.dma_semaphore, #tpu.memory_space<semaphore_mem>>) {add = true}
    %dma_start3A_50 = arith.constant 5 : i32
    %dma_start3A_51 = arith.constant 0 : i32
    %dma_start3A_52 = tpu.memref_slice %arg5[%dma_start3A_50, %dma_start3A_51] : memref<50x128xi32, #tpu.memory_space<vmem>> -> memref<1x128xi32, #tpu.memory_space<vmem>>
    %dma_start3A_53 = tpu.memref_squeeze %dma_start3A_52 : memref<1x128xi32, #tpu.memory_space<vmem>> -> memref<128xi32, #tpu.memory_space<vmem>>
    %dma_start3A_54 = arith.constant 0 : i32
    %dma_start3A_55 = arith.constant 0 : i32
    %dma_start3A_56 = tpu.memref_slice %arg3[%dma_start3A_54, %dma_start3A_55] : memref<100000x128xf32, #tpu.memory_space<hbm>> -> memref<100000x128xf32, #tpu.memory_space<hbm>>
    tpu.enqueue_indirect_dma source(%dma_start3A_56 : memref<100000x128xf32, #tpu.memory_space<hbm>>) target(%arg7 : memref<128x128xf32, #tpu.memory_space<vmem>>) offsets(%dma_start3A_53 : memref<128xi32, #tpu.memory_space<vmem>>) semaphore(%arg9 : memref<!tpu.dma_semaphore, #tpu.memory_space<semaphore_mem>>) {add = true}
    %dma_start3A_57 = arith.constant 6 : i32
    %dma_start3A_58 = arith.constant 0 : i32
    %dma_start3A_59 = tpu.memref_slice %arg5[%dma_start3A_57, %dma_start3A_58] : memref<50x128xi32, #tpu.memory_space<vmem>> -> memref<1x128xi32, #tpu.memory_space<vmem>>
    %dma_start3A_60 = tpu.memref_squeeze %dma_start3A_59 : memref<1x128xi32, #tpu.memory_space<vmem>> -> memref<128xi32, #tpu.memory_space<vmem>>
    %dma_start3A_61 = arith.constant 0 : i32
    %dma_start3A_62 = arith.constant 0 : i32
    %dma_start3A_63 = tpu.memref_slice %arg3[%dma_start3A_61, %dma_start3A_62] : memref<100000x128xf32, #tpu.memory_space<hbm>> -> memref<100000x128xf32, #tpu.memory_space<hbm>>
    tpu.enqueue_indirect_dma source(%dma_start3A_63 : memref<100000x128xf32, #tpu.memory_space<hbm>>) target(%arg6 : memref<128x128xf32, #tpu.memory_space<vmem>>) offsets(%dma_start3A_60 : memref<128xi32, #tpu.memory_space<vmem>>) semaphore(%arg8 : memref<!tpu.dma_semaphore, #tpu.memory_space<semaphore_mem>>) {add = true}
    %dma_start3A_64 = arith.constant 7 : i32
    %dma_start3A_65 = arith.constant 0 : i32
    %dma_start3A_66 = tpu.memref_slice %arg5[%dma_start3A_64, %dma_start3A_65] : memref<50x128xi32, #tpu.memory_space<vmem>> -> memref<1x128xi32, #tpu.memory_space<vmem>>
    %dma_start3A_67 = tpu.memref_squeeze %dma_start3A_66 : memref<1x128xi32, #tpu.memory_space<vmem>> -> memref<128xi32, #tpu.memory_space<vmem>>
    %dma_start3A_68 = arith.constant 0 : i32
    %dma_start3A_69 = arith.constant 0 : i32
    %dma_start3A_70 = tpu.memref_slice %arg3[%dma_start3A_68, %dma_start3A_69] : memref<100000x128xf32, #tpu.memory_space<hbm>> -> memref<100000x128xf32, #tpu.memory_space<hbm>>
    tpu.enqueue_indirect_dma source(%dma_start3A_70 : memref<100000x128xf32, #tpu.memory_space<hbm>>) target(%arg7 : memref<128x128xf32, #tpu.memory_space<vmem>>) offsets(%dma_start3A_67 : memref<128xi32, #tpu.memory_space<vmem>>) semaphore(%arg9 : memref<!tpu.dma_semaphore, #tpu.memory_space<semaphore_mem>>) {add = true}
    %dma_start3A_71 = arith.constant 8 : i32
    %dma_start3A_72 = arith.constant 0 : i32
    %dma_start3A_73 = tpu.memref_slice %arg5[%dma_start3A_71, %dma_start3A_72] : memref<50x128xi32, #tpu.memory_space<vmem>> -> memref<1x128xi32, #tpu.memory_space<vmem>>
    %dma_start3A_74 = tpu.memref_squeeze %dma_start3A_73 : memref<1x128xi32, #tpu.memory_space<vmem>> -> memref<128xi32, #tpu.memory_space<vmem>>
    %dma_start3A_75 = arith.constant 0 : i32
    %dma_start3A_76 = arith.constant 0 : i32
    %dma_start3A_77 = tpu.memref_slice %arg3[%dma_start3A_75, %dma_start3A_76] : memref<100000x128xf32, #tpu.memory_space<hbm>> -> memref<100000x128xf32, #tpu.memory_space<hbm>>
    tpu.enqueue_indirect_dma source(%dma_start3A_77 : memref<100000x128xf32, #tpu.memory_space<hbm>>) target(%arg6 : memref<128x128xf32, #tpu.memory_space<vmem>>) offsets(%dma_start3A_74 : memref<128xi32, #tpu.memory_space<vmem>>) semaphore(%arg8 : memref<!tpu.dma_semaphore, #tpu.memory_space<semaphore_mem>>) {add = true}
    %dma_start3A_78 = arith.constant 9 : i32
    %dma_start3A_79 = arith.constant 0 : i32
    %dma_start3A_80 = tpu.memref_slice %arg5[%dma_start3A_78, %dma_start3A_79] : memref<50x128xi32, #tpu.memory_space<vmem>> -> memref<1x128xi32, #tpu.memory_space<vmem>>
    %dma_start3A_81 = tpu.memref_squeeze %dma_start3A_80 : memref<1x128xi32, #tpu.memory_space<vmem>> -> memref<128xi32, #tpu.memory_space<vmem>>
    %dma_start3A_82 = arith.constant 0 : i32
    %dma_start3A_83 = arith.constant 0 : i32
    %dma_start3A_84 = tpu.memref_slice %arg3[%dma_start3A_82, %dma_start3A_83] : memref<100000x128xf32, #tpu.memory_space<hbm>> -> memref<100000x128xf32, #tpu.memory_space<hbm>>
    tpu.enqueue_indirect_dma source(%dma_start3A_84 : memref<100000x128xf32, #tpu.memory_space<hbm>>) target(%arg7 : memref<128x128xf32, #tpu.memory_space<vmem>>) offsets(%dma_start3A_81 : memref<128xi32, #tpu.memory_space<vmem>>) semaphore(%arg9 : memref<!tpu.dma_semaphore, #tpu.memory_space<semaphore_mem>>) {add = true}
    %dma_start3A_85 = arith.constant 10 : i32
    %dma_start3A_86 = arith.constant 0 : i32
    %dma_start3A_87 = tpu.memref_slice %arg5[%dma_start3A_85, %dma_start3A_86] : memref<50x128xi32, #tpu.memory_space<vmem>> -> memref<1x128xi32, #tpu.memory_space<vmem>>
    %dma_start3A_88 = tpu.memref_squeeze %dma_start3A_87 : memref<1x128xi32, #tpu.memory_space<vmem>> -> memref<128xi32, #tpu.memory_space<vmem>>
    %dma_start3A_89 = arith.constant 0 : i32
    %dma_start3A_90 = arith.constant 0 : i32
    %dma_start3A_91 = tpu.memref_slice %arg3[%dma_start3A_89, %dma_start3A_90] : memref<100000x128xf32, #tpu.memory_space<hbm>> -> memref<100000x128xf32, #tpu.memory_space<hbm>>
    tpu.enqueue_indirect_dma source(%dma_start3A_91 : memref<100000x128xf32, #tpu.memory_space<hbm>>) target(%arg6 : memref<128x128xf32, #tpu.memory_space<vmem>>) offsets(%dma_start3A_88 : memref<128xi32, #tpu.memory_space<vmem>>) semaphore(%arg8 : memref<!tpu.dma_semaphore, #tpu.memory_space<semaphore_mem>>) {add = true}
    %dma_start3A_92 = arith.constant 11 : i32
    %dma_start3A_93 = arith.constant 0 : i32
    %dma_start3A_94 = tpu.memref_slice %arg5[%dma_start3A_92, %dma_start3A_93] : memref<50x128xi32, #tpu.memory_space<vmem>> -> memref<1x128xi32, #tpu.memory_space<vmem>>
    %dma_start3A_95 = tpu.memref_squeeze %dma_start3A_94 : memref<1x128xi32, #tpu.memory_space<vmem>> -> memref<128xi32, #tpu.memory_space<vmem>>
    %dma_start3A_96 = arith.constant 0 : i32
    %dma_start3A_97 = arith.constant 0 : i32
    %dma_start3A_98 = tpu.memref_slice %arg3[%dma_start3A_96, %dma_start3A_97] : memref<100000x128xf32, #tpu.memory_space<hbm>> -> memref<100000x128xf32, #tpu.memory_space<hbm>>
    tpu.enqueue_indirect_dma source(%dma_start3A_98 : memref<100000x128xf32, #tpu.memory_space<hbm>>) target(%arg7 : memref<128x128xf32, #tpu.memory_space<vmem>>) offsets(%dma_start3A_95 : memref<128xi32, #tpu.memory_space<vmem>>) semaphore(%arg9 : memref<!tpu.dma_semaphore, #tpu.memory_space<semaphore_mem>>) {add = true}
    %dma_start3A_99 = arith.constant 12 : i32
    %dma_start3A_100 = arith.constant 0 : i32
    %dma_start3A_101 = tpu.memref_slice %arg5[%dma_start3A_99, %dma_start3A_100] : memref<50x128xi32, #tpu.memory_space<vmem>> -> memref<1x128xi32, #tpu.memory_space<vmem>>
    %dma_start3A_102 = tpu.memref_squeeze %dma_start3A_101 : memref<1x128xi32, #tpu.memory_space<vmem>> -> memref<128xi32, #tpu.memory_space<vmem>>
    %dma_start3A_103 = arith.constant 0 : i32
    %dma_start3A_104 = arith.constant 0 : i32
    %dma_start3A_105 = tpu.memref_slice %arg3[%dma_start3A_103, %dma_start3A_104] : memref<100000x128xf32, #tpu.memory_space<hbm>> -> memref<100000x128xf32, #tpu.memory_space<hbm>>
    tpu.enqueue_indirect_dma source(%dma_start3A_105 : memref<100000x128xf32, #tpu.memory_space<hbm>>) target(%arg6 : memref<128x128xf32, #tpu.memory_space<vmem>>) offsets(%dma_start3A_102 : memref<128xi32, #tpu.memory_space<vmem>>) semaphore(%arg8 : memref<!tpu.dma_semaphore, #tpu.memory_space<semaphore_mem>>) {add = true}
    %dma_start3A_106 = arith.constant 13 : i32
    %dma_start3A_107 = arith.constant 0 : i32
    %dma_start3A_108 = tpu.memref_slice %arg5[%dma_start3A_106, %dma_start3A_107] : memref<50x128xi32, #tpu.memory_space<vmem>> -> memref<1x128xi32, #tpu.memory_space<vmem>>
    %dma_start3A_109 = tpu.memref_squeeze %dma_start3A_108 : memref<1x128xi32, #tpu.memory_space<vmem>> -> memref<128xi32, #tpu.memory_space<vmem>>
    %dma_start3A_110 = arith.constant 0 : i32
    %dma_start3A_111 = arith.constant 0 : i32
    %dma_start3A_112 = tpu.memref_slice %arg3[%dma_start3A_110, %dma_start3A_111] : memref<100000x128xf32, #tpu.memory_space<hbm>> -> memref<100000x128xf32, #tpu.memory_space<hbm>>
    tpu.enqueue_indirect_dma source(%dma_start3A_112 : memref<100000x128xf32, #tpu.memory_space<hbm>>) target(%arg7 : memref<128x128xf32, #tpu.memory_space<vmem>>) offsets(%dma_start3A_109 : memref<128xi32, #tpu.memory_space<vmem>>) semaphore(%arg9 : memref<!tpu.dma_semaphore, #tpu.memory_space<semaphore_mem>>) {add = true}
    %dma_start3A_113 = arith.constant 14 : i32
    %dma_start3A_114 = arith.constant 0 : i32
    %dma_start3A_115 = tpu.memref_slice %arg5[%dma_start3A_113, %dma_start3A_114] : memref<50x128xi32, #tpu.memory_space<vmem>> -> memref<1x128xi32, #tpu.memory_space<vmem>>
    %dma_start3A_116 = tpu.memref_squeeze %dma_start3A_115 : memref<1x128xi32, #tpu.memory_space<vmem>> -> memref<128xi32, #tpu.memory_space<vmem>>
    %dma_start3A_117 = arith.constant 0 : i32
    %dma_start3A_118 = arith.constant 0 : i32
    %dma_start3A_119 = tpu.memref_slice %arg3[%dma_start3A_117, %dma_start3A_118] : memref<100000x128xf32, #tpu.memory_space<hbm>> -> memref<100000x128xf32, #tpu.memory_space<hbm>>
    tpu.enqueue_indirect_dma source(%dma_start3A_119 : memref<100000x128xf32, #tpu.memory_space<hbm>>) target(%arg6 : memref<128x128xf32, #tpu.memory_space<vmem>>) offsets(%dma_start3A_116 : memref<128xi32, #tpu.memory_space<vmem>>) semaphore(%arg8 : memref<!tpu.dma_semaphore, #tpu.memory_space<semaphore_mem>>) {add = true}
    %dma_start3A_120 = arith.constant 15 : i32
    %dma_start3A_121 = arith.constant 0 : i32
    %dma_start3A_122 = tpu.memref_slice %arg5[%dma_start3A_120, %dma_start3A_121] : memref<50x128xi32, #tpu.memory_space<vmem>> -> memref<1x128xi32, #tpu.memory_space<vmem>>
    %dma_start3A_123 = tpu.memref_squeeze %dma_start3A_122 : memref<1x128xi32, #tpu.memory_space<vmem>> -> memref<128xi32, #tpu.memory_space<vmem>>
    %dma_start3A_124 = arith.constant 0 : i32
    %dma_start3A_125 = arith.constant 0 : i32
    %dma_start3A_126 = tpu.memref_slice %arg3[%dma_start3A_124, %dma_start3A_125] : memref<100000x128xf32, #tpu.memory_space<hbm>> -> memref<100000x128xf32, #tpu.memory_space<hbm>>
    tpu.enqueue_indirect_dma source(%dma_start3A_126 : memref<100000x128xf32, #tpu.memory_space<hbm>>) target(%arg7 : memref<128x128xf32, #tpu.memory_space<vmem>>) offsets(%dma_start3A_123 : memref<128xi32, #tpu.memory_space<vmem>>) semaphore(%arg9 : memref<!tpu.dma_semaphore, #tpu.memory_space<semaphore_mem>>) {add = true}
    %dma_start3A_127 = arith.constant 16 : i32
    %dma_start3A_128 = arith.constant 0 : i32
    %dma_start3A_129 = tpu.memref_slice %arg5[%dma_start3A_127, %dma_start3A_128] : memref<50x128xi32, #tpu.memory_space<vmem>> -> memref<1x128xi32, #tpu.memory_space<vmem>>
    %dma_start3A_130 = tpu.memref_squeeze %dma_start3A_129 : memref<1x128xi32, #tpu.memory_space<vmem>> -> memref<128xi32, #tpu.memory_space<vmem>>
    %dma_start3A_131 = arith.constant 0 : i32
    %dma_start3A_132 = arith.constant 0 : i32
    %dma_start3A_133 = tpu.memref_slice %arg3[%dma_start3A_131, %dma_start3A_132] : memref<100000x128xf32, #tpu.memory_space<hbm>> -> memref<100000x128xf32, #tpu.memory_space<hbm>>
    tpu.enqueue_indirect_dma source(%dma_start3A_133 : memref<100000x128xf32, #tpu.memory_space<hbm>>) target(%arg6 : memref<128x128xf32, #tpu.memory_space<vmem>>) offsets(%dma_start3A_130 : memref<128xi32, #tpu.memory_space<vmem>>) semaphore(%arg8 : memref<!tpu.dma_semaphore, #tpu.memory_space<semaphore_mem>>) {add = true}
    %dma_start3A_134 = arith.constant 17 : i32
    %dma_start3A_135 = arith.constant 0 : i32
    %dma_start3A_136 = tpu.memref_slice %arg5[%dma_start3A_134, %dma_start3A_135] : memref<50x128xi32, #tpu.memory_space<vmem>> -> memref<1x128xi32, #tpu.memory_space<vmem>>
    %dma_start3A_137 = tpu.memref_squeeze %dma_start3A_136 : memref<1x128xi32, #tpu.memory_space<vmem>> -> memref<128xi32, #tpu.memory_space<vmem>>
    %dma_start3A_138 = arith.constant 0 : i32
    %dma_start3A_139 = arith.constant 0 : i32
    %dma_start3A_140 = tpu.memref_slice %arg3[%dma_start3A_138, %dma_start3A_139] : memref<100000x128xf32, #tpu.memory_space<hbm>> -> memref<100000x128xf32, #tpu.memory_space<hbm>>
    tpu.enqueue_indirect_dma source(%dma_start3A_140 : memref<100000x128xf32, #tpu.memory_space<hbm>>) target(%arg7 : memref<128x128xf32, #tpu.memory_space<vmem>>) offsets(%dma_start3A_137 : memref<128xi32, #tpu.memory_space<vmem>>) semaphore(%arg9 : memref<!tpu.dma_semaphore, #tpu.memory_space<semaphore_mem>>) {add = true}
    %dma_start3A_141 = arith.constant 18 : i32
    %dma_start3A_142 = arith.constant 0 : i32
    %dma_start3A_143 = tpu.memref_slice %arg5[%dma_start3A_141, %dma_start3A_142] : memref<50x128xi32, #tpu.memory_space<vmem>> -> memref<1x128xi32, #tpu.memory_space<vmem>>
    %dma_start3A_144 = tpu.memref_squeeze %dma_start3A_143 : memref<1x128xi32, #tpu.memory_space<vmem>> -> memref<128xi32, #tpu.memory_space<vmem>>
    %dma_start3A_145 = arith.constant 0 : i32
    %dma_start3A_146 = arith.constant 0 : i32
    %dma_start3A_147 = tpu.memref_slice %arg3[%dma_start3A_145, %dma_start3A_146] : memref<100000x128xf32, #tpu.memory_space<hbm>> -> memref<100000x128xf32, #tpu.memory_space<hbm>>
    tpu.enqueue_indirect_dma source(%dma_start3A_147 : memref<100000x128xf32, #tpu.memory_space<hbm>>) target(%arg6 : memref<128x128xf32, #tpu.memory_space<vmem>>) offsets(%dma_start3A_144 : memref<128xi32, #tpu.memory_space<vmem>>) semaphore(%arg8 : memref<!tpu.dma_semaphore, #tpu.memory_space<semaphore_mem>>) {add = true}
    %dma_start3A_148 = arith.constant 19 : i32
    %dma_start3A_149 = arith.constant 0 : i32
    %dma_start3A_150 = tpu.memref_slice %arg5[%dma_start3A_148, %dma_start3A_149] : memref<50x128xi32, #tpu.memory_space<vmem>> -> memref<1x128xi32, #tpu.memory_space<vmem>>
    %dma_start3A_151 = tpu.memref_squeeze %dma_start3A_150 : memref<1x128xi32, #tpu.memory_space<vmem>> -> memref<128xi32, #tpu.memory_space<vmem>>
    %dma_start3A_152 = arith.constant 0 : i32
    %dma_start3A_153 = arith.constant 0 : i32
    %dma_start3A_154 = tpu.memref_slice %arg3[%dma_start3A_152, %dma_start3A_153] : memref<100000x128xf32, #tpu.memory_space<hbm>> -> memref<100000x128xf32, #tpu.memory_space<hbm>>
    tpu.enqueue_indirect_dma source(%dma_start3A_154 : memref<100000x128xf32, #tpu.memory_space<hbm>>) target(%arg7 : memref<128x128xf32, #tpu.memory_space<vmem>>) offsets(%dma_start3A_151 : memref<128xi32, #tpu.memory_space<vmem>>) semaphore(%arg9 : memref<!tpu.dma_semaphore, #tpu.memory_space<semaphore_mem>>) {add = true}
    %dma_start3A_155 = arith.constant 20 : i32
    %dma_start3A_156 = arith.constant 0 : i32
    %dma_start3A_157 = tpu.memref_slice %arg5[%dma_start3A_155, %dma_start3A_156] : memref<50x128xi32, #tpu.memory_space<vmem>> -> memref<1x128xi32, #tpu.memory_space<vmem>>
    %dma_start3A_158 = tpu.memref_squeeze %dma_start3A_157 : memref<1x128xi32, #tpu.memory_space<vmem>> -> memref<128xi32, #tpu.memory_space<vmem>>
    %dma_start3A_159 = arith.constant 0 : i32
    %dma_start3A_160 = arith.constant 0 : i32
    %dma_start3A_161 = tpu.memref_slice %arg3[%dma_start3A_159, %dma_start3A_160] : memref<100000x128xf32, #tpu.memory_space<hbm>> -> memref<100000x128xf32, #tpu.memory_space<hbm>>
    tpu.enqueue_indirect_dma source(%dma_start3A_161 : memref<100000x128xf32, #tpu.memory_space<hbm>>) target(%arg6 : memref<128x128xf32, #tpu.memory_space<vmem>>) offsets(%dma_start3A_158 : memref<128xi32, #tpu.memory_space<vmem>>) semaphore(%arg8 : memref<!tpu.dma_semaphore, #tpu.memory_space<semaphore_mem>>) {add = true}
    %dma_start3A_162 = arith.constant 21 : i32
    %dma_start3A_163 = arith.constant 0 : i32
    %dma_start3A_164 = tpu.memref_slice %arg5[%dma_start3A_162, %dma_start3A_163] : memref<50x128xi32, #tpu.memory_space<vmem>> -> memref<1x128xi32, #tpu.memory_space<vmem>>
    %dma_start3A_165 = tpu.memref_squeeze %dma_start3A_164 : memref<1x128xi32, #tpu.memory_space<vmem>> -> memref<128xi32, #tpu.memory_space<vmem>>
    %dma_start3A_166 = arith.constant 0 : i32
    %dma_start3A_167 = arith.constant 0 : i32
    %dma_start3A_168 = tpu.memref_slice %arg3[%dma_start3A_166, %dma_start3A_167] : memref<100000x128xf32, #tpu.memory_space<hbm>> -> memref<100000x128xf32, #tpu.memory_space<hbm>>
    tpu.enqueue_indirect_dma source(%dma_start3A_168 : memref<100000x128xf32, #tpu.memory_space<hbm>>) target(%arg7 : memref<128x128xf32, #tpu.memory_space<vmem>>) offsets(%dma_start3A_165 : memref<128xi32, #tpu.memory_space<vmem>>) semaphore(%arg9 : memref<!tpu.dma_semaphore, #tpu.memory_space<semaphore_mem>>) {add = true}
    %dma_start3A_169 = arith.constant 22 : i32
    %dma_start3A_170 = arith.constant 0 : i32
    %dma_start3A_171 = tpu.memref_slice %arg5[%dma_start3A_169, %dma_start3A_170] : memref<50x128xi32, #tpu.memory_space<vmem>> -> memref<1x128xi32, #tpu.memory_space<vmem>>
    %dma_start3A_172 = tpu.memref_squeeze %dma_start3A_171 : memref<1x128xi32, #tpu.memory_space<vmem>> -> memref<128xi32, #tpu.memory_space<vmem>>
    %dma_start3A_173 = arith.constant 0 : i32
    %dma_start3A_174 = arith.constant 0 : i32
    %dma_start3A_175 = tpu.memref_slice %arg3[%dma_start3A_173, %dma_start3A_174] : memref<100000x128xf32, #tpu.memory_space<hbm>> -> memref<100000x128xf32, #tpu.memory_space<hbm>>
    tpu.enqueue_indirect_dma source(%dma_start3A_175 : memref<100000x128xf32, #tpu.memory_space<hbm>>) target(%arg6 : memref<128x128xf32, #tpu.memory_space<vmem>>) offsets(%dma_start3A_172 : memref<128xi32, #tpu.memory_space<vmem>>) semaphore(%arg8 : memref<!tpu.dma_semaphore, #tpu.memory_space<semaphore_mem>>) {add = true}
    %dma_start3A_176 = arith.constant 23 : i32
    %dma_start3A_177 = arith.constant 0 : i32
    %dma_start3A_178 = tpu.memref_slice %arg5[%dma_start3A_176, %dma_start3A_177] : memref<50x128xi32, #tpu.memory_space<vmem>> -> memref<1x128xi32, #tpu.memory_space<vmem>>
    %dma_start3A_179 = tpu.memref_squeeze %dma_start3A_178 : memref<1x128xi32, #tpu.memory_space<vmem>> -> memref<128xi32, #tpu.memory_space<vmem>>
    %dma_start3A_180 = arith.constant 0 : i32
    %dma_start3A_181 = arith.constant 0 : i32
    %dma_start3A_182 = tpu.memref_slice %arg3[%dma_start3A_180, %dma_start3A_181] : memref<100000x128xf32, #tpu.memory_space<hbm>> -> memref<100000x128xf32, #tpu.memory_space<hbm>>
    tpu.enqueue_indirect_dma source(%dma_start3A_182 : memref<100000x128xf32, #tpu.memory_space<hbm>>) target(%arg7 : memref<128x128xf32, #tpu.memory_space<vmem>>) offsets(%dma_start3A_179 : memref<128xi32, #tpu.memory_space<vmem>>) semaphore(%arg9 : memref<!tpu.dma_semaphore, #tpu.memory_space<semaphore_mem>>) {add = true}
    %dma_start3A_183 = arith.constant 24 : i32
    %dma_start3A_184 = arith.constant 0 : i32
    %dma_start3A_185 = tpu.memref_slice %arg5[%dma_start3A_183, %dma_start3A_184] : memref<50x128xi32, #tpu.memory_space<vmem>> -> memref<1x128xi32, #tpu.memory_space<vmem>>
    %dma_start3A_186 = tpu.memref_squeeze %dma_start3A_185 : memref<1x128xi32, #tpu.memory_space<vmem>> -> memref<128xi32, #tpu.memory_space<vmem>>
    %dma_start3A_187 = arith.constant 0 : i32
    %dma_start3A_188 = arith.constant 0 : i32
    %dma_start3A_189 = tpu.memref_slice %arg3[%dma_start3A_187, %dma_start3A_188] : memref<100000x128xf32, #tpu.memory_space<hbm>> -> memref<100000x128xf32, #tpu.memory_space<hbm>>
    tpu.enqueue_indirect_dma source(%dma_start3A_189 : memref<100000x128xf32, #tpu.memory_space<hbm>>) target(%arg6 : memref<128x128xf32, #tpu.memory_space<vmem>>) offsets(%dma_start3A_186 : memref<128xi32, #tpu.memory_space<vmem>>) semaphore(%arg8 : memref<!tpu.dma_semaphore, #tpu.memory_space<semaphore_mem>>) {add = true}
    %dma_start3A_190 = arith.constant 25 : i32
    %dma_start3A_191 = arith.constant 0 : i32
    %dma_start3A_192 = tpu.memref_slice %arg5[%dma_start3A_190, %dma_start3A_191] : memref<50x128xi32, #tpu.memory_space<vmem>> -> memref<1x128xi32, #tpu.memory_space<vmem>>
    %dma_start3A_193 = tpu.memref_squeeze %dma_start3A_192 : memref<1x128xi32, #tpu.memory_space<vmem>> -> memref<128xi32, #tpu.memory_space<vmem>>
    %dma_start3A_194 = arith.constant 0 : i32
    %dma_start3A_195 = arith.constant 0 : i32
    %dma_start3A_196 = tpu.memref_slice %arg3[%dma_start3A_194, %dma_start3A_195] : memref<100000x128xf32, #tpu.memory_space<hbm>> -> memref<100000x128xf32, #tpu.memory_space<hbm>>
    tpu.enqueue_indirect_dma source(%dma_start3A_196 : memref<100000x128xf32, #tpu.memory_space<hbm>>) target(%arg7 : memref<128x128xf32, #tpu.memory_space<vmem>>) offsets(%dma_start3A_193 : memref<128xi32, #tpu.memory_space<vmem>>) semaphore(%arg9 : memref<!tpu.dma_semaphore, #tpu.memory_space<semaphore_mem>>) {add = true}
    %dma_start3A_197 = arith.constant 26 : i32
    %dma_start3A_198 = arith.constant 0 : i32
    %dma_start3A_199 = tpu.memref_slice %arg5[%dma_start3A_197, %dma_start3A_198] : memref<50x128xi32, #tpu.memory_space<vmem>> -> memref<1x128xi32, #tpu.memory_space<vmem>>
    %dma_start3A_200 = tpu.memref_squeeze %dma_start3A_199 : memref<1x128xi32, #tpu.memory_space<vmem>> -> memref<128xi32, #tpu.memory_space<vmem>>
    %dma_start3A_201 = arith.constant 0 : i32
    %dma_start3A_202 = arith.constant 0 : i32
    %dma_start3A_203 = tpu.memref_slice %arg3[%dma_start3A_201, %dma_start3A_202] : memref<100000x128xf32, #tpu.memory_space<hbm>> -> memref<100000x128xf32, #tpu.memory_space<hbm>>
    tpu.enqueue_indirect_dma source(%dma_start3A_203 : memref<100000x128xf32, #tpu.memory_space<hbm>>) target(%arg6 : memref<128x128xf32, #tpu.memory_space<vmem>>) offsets(%dma_start3A_200 : memref<128xi32, #tpu.memory_space<vmem>>) semaphore(%arg8 : memref<!tpu.dma_semaphore, #tpu.memory_space<semaphore_mem>>) {add = true}
    %dma_start3A_204 = arith.constant 27 : i32
    %dma_start3A_205 = arith.constant 0 : i32
    %dma_start3A_206 = tpu.memref_slice %arg5[%dma_start3A_204, %dma_start3A_205] : memref<50x128xi32, #tpu.memory_space<vmem>> -> memref<1x128xi32, #tpu.memory_space<vmem>>
    %dma_start3A_207 = tpu.memref_squeeze %dma_start3A_206 : memref<1x128xi32, #tpu.memory_space<vmem>> -> memref<128xi32, #tpu.memory_space<vmem>>
    %dma_start3A_208 = arith.constant 0 : i32
    %dma_start3A_209 = arith.constant 0 : i32
    %dma_start3A_210 = tpu.memref_slice %arg3[%dma_start3A_208, %dma_start3A_209] : memref<100000x128xf32, #tpu.memory_space<hbm>> -> memref<100000x128xf32, #tpu.memory_space<hbm>>
    tpu.enqueue_indirect_dma source(%dma_start3A_210 : memref<100000x128xf32, #tpu.memory_space<hbm>>) target(%arg7 : memref<128x128xf32, #tpu.memory_space<vmem>>) offsets(%dma_start3A_207 : memref<128xi32, #tpu.memory_space<vmem>>) semaphore(%arg9 : memref<!tpu.dma_semaphore, #tpu.memory_space<semaphore_mem>>) {add = true}
    %dma_start3A_211 = arith.constant 28 : i32
    %dma_start3A_212 = arith.constant 0 : i32
    %dma_start3A_213 = tpu.memref_slice %arg5[%dma_start3A_211, %dma_start3A_212] : memref<50x128xi32, #tpu.memory_space<vmem>> -> memref<1x128xi32, #tpu.memory_space<vmem>>
    %dma_start3A_214 = tpu.memref_squeeze %dma_start3A_213 : memref<1x128xi32, #tpu.memory_space<vmem>> -> memref<128xi32, #tpu.memory_space<vmem>>
    %dma_start3A_215 = arith.constant 0 : i32
    %dma_start3A_216 = arith.constant 0 : i32
    %dma_start3A_217 = tpu.memref_slice %arg3[%dma_start3A_215, %dma_start3A_216] : memref<100000x128xf32, #tpu.memory_space<hbm>> -> memref<100000x128xf32, #tpu.memory_space<hbm>>
    tpu.enqueue_indirect_dma source(%dma_start3A_217 : memref<100000x128xf32, #tpu.memory_space<hbm>>) target(%arg6 : memref<128x128xf32, #tpu.memory_space<vmem>>) offsets(%dma_start3A_214 : memref<128xi32, #tpu.memory_space<vmem>>) semaphore(%arg8 : memref<!tpu.dma_semaphore, #tpu.memory_space<semaphore_mem>>) {add = true}
    %dma_start3A_218 = arith.constant 29 : i32
    %dma_start3A_219 = arith.constant 0 : i32
    %dma_start3A_220 = tpu.memref_slice %arg5[%dma_start3A_218, %dma_start3A_219] : memref<50x128xi32, #tpu.memory_space<vmem>> -> memref<1x128xi32, #tpu.memory_space<vmem>>
    %dma_start3A_221 = tpu.memref_squeeze %dma_start3A_220 : memref<1x128xi32, #tpu.memory_space<vmem>> -> memref<128xi32, #tpu.memory_space<vmem>>
    %dma_start3A_222 = arith.constant 0 : i32
    %dma_start3A_223 = arith.constant 0 : i32
    %dma_start3A_224 = tpu.memref_slice %arg3[%dma_start3A_222, %dma_start3A_223] : memref<100000x128xf32, #tpu.memory_space<hbm>> -> memref<100000x128xf32, #tpu.memory_space<hbm>>
    tpu.enqueue_indirect_dma source(%dma_start3A_224 : memref<100000x128xf32, #tpu.memory_space<hbm>>) target(%arg7 : memref<128x128xf32, #tpu.memory_space<vmem>>) offsets(%dma_start3A_221 : memref<128xi32, #tpu.memory_space<vmem>>) semaphore(%arg9 : memref<!tpu.dma_semaphore, #tpu.memory_space<semaphore_mem>>) {add = true}
    %dma_start3A_225 = arith.constant 30 : i32
    %dma_start3A_226 = arith.constant 0 : i32
    %dma_start3A_227 = tpu.memref_slice %arg5[%dma_start3A_225, %dma_start3A_226] : memref<50x128xi32, #tpu.memory_space<vmem>> -> memref<1x128xi32, #tpu.memory_space<vmem>>
    %dma_start3A_228 = tpu.memref_squeeze %dma_start3A_227 : memref<1x128xi32, #tpu.memory_space<vmem>> -> memref<128xi32, #tpu.memory_space<vmem>>
    %dma_start3A_229 = arith.constant 0 : i32
    %dma_start3A_230 = arith.constant 0 : i32
    %dma_start3A_231 = tpu.memref_slice %arg3[%dma_start3A_229, %dma_start3A_230] : memref<100000x128xf32, #tpu.memory_space<hbm>> -> memref<100000x128xf32, #tpu.memory_space<hbm>>
    tpu.enqueue_indirect_dma source(%dma_start3A_231 : memref<100000x128xf32, #tpu.memory_space<hbm>>) target(%arg6 : memref<128x128xf32, #tpu.memory_space<vmem>>) offsets(%dma_start3A_228 : memref<128xi32, #tpu.memory_space<vmem>>) semaphore(%arg8 : memref<!tpu.dma_semaphore, #tpu.memory_space<semaphore_mem>>) {add = true}
    %dma_start3A_232 = arith.constant 31 : i32
    %dma_start3A_233 = arith.constant 0 : i32
    %dma_start3A_234 = tpu.memref_slice %arg5[%dma_start3A_232, %dma_start3A_233] : memref<50x128xi32, #tpu.memory_space<vmem>> -> memref<1x128xi32, #tpu.memory_space<vmem>>
    %dma_start3A_235 = tpu.memref_squeeze %dma_start3A_234 : memref<1x128xi32, #tpu.memory_space<vmem>> -> memref<128xi32, #tpu.memory_space<vmem>>
    %dma_start3A_236 = arith.constant 0 : i32
    %dma_start3A_237 = arith.constant 0 : i32
    %dma_start3A_238 = tpu.memref_slice %arg3[%dma_start3A_236, %dma_start3A_237] : memref<100000x128xf32, #tpu.memory_space<hbm>> -> memref<100000x128xf32, #tpu.memory_space<hbm>>
    tpu.enqueue_indirect_dma source(%dma_start3A_238 : memref<100000x128xf32, #tpu.memory_space<hbm>>) target(%arg7 : memref<128x128xf32, #tpu.memory_space<vmem>>) offsets(%dma_start3A_235 : memref<128xi32, #tpu.memory_space<vmem>>) semaphore(%arg9 : memref<!tpu.dma_semaphore, #tpu.memory_space<semaphore_mem>>) {add = true}
    %dma_start3A_239 = arith.constant 32 : i32
    %dma_start3A_240 = arith.constant 0 : i32
    %dma_start3A_241 = tpu.memref_slice %arg5[%dma_start3A_239, %dma_start3A_240] : memref<50x128xi32, #tpu.memory_space<vmem>> -> memref<1x128xi32, #tpu.memory_space<vmem>>
    %dma_start3A_242 = tpu.memref_squeeze %dma_start3A_241 : memref<1x128xi32, #tpu.memory_space<vmem>> -> memref<128xi32, #tpu.memory_space<vmem>>
    %dma_start3A_243 = arith.constant 0 : i32
    %dma_start3A_244 = arith.constant 0 : i32
    %dma_start3A_245 = tpu.memref_slice %arg3[%dma_start3A_243, %dma_start3A_244] : memref<100000x128xf32, #tpu.memory_space<hbm>> -> memref<100000x128xf32, #tpu.memory_space<hbm>>
    tpu.enqueue_indirect_dma source(%dma_start3A_245 : memref<100000x128xf32, #tpu.memory_space<hbm>>) target(%arg6 : memref<128x128xf32, #tpu.memory_space<vmem>>) offsets(%dma_start3A_242 : memref<128xi32, #tpu.memory_space<vmem>>) semaphore(%arg8 : memref<!tpu.dma_semaphore, #tpu.memory_space<semaphore_mem>>) {add = true}
    %dma_start3A_246 = arith.constant 33 : i32
    %dma_start3A_247 = arith.constant 0 : i32
    %dma_start3A_248 = tpu.memref_slice %arg5[%dma_start3A_246, %dma_start3A_247] : memref<50x128xi32, #tpu.memory_space<vmem>> -> memref<1x128xi32, #tpu.memory_space<vmem>>
    %dma_start3A_249 = tpu.memref_squeeze %dma_start3A_248 : memref<1x128xi32, #tpu.memory_space<vmem>> -> memref<128xi32, #tpu.memory_space<vmem>>
    %dma_start3A_250 = arith.constant 0 : i32
    %dma_start3A_251 = arith.constant 0 : i32
    %dma_start3A_252 = tpu.memref_slice %arg3[%dma_start3A_250, %dma_start3A_251] : memref<100000x128xf32, #tpu.memory_space<hbm>> -> memref<100000x128xf32, #tpu.memory_space<hbm>>
    tpu.enqueue_indirect_dma source(%dma_start3A_252 : memref<100000x128xf32, #tpu.memory_space<hbm>>) target(%arg7 : memref<128x128xf32, #tpu.memory_space<vmem>>) offsets(%dma_start3A_249 : memref<128xi32, #tpu.memory_space<vmem>>) semaphore(%arg9 : memref<!tpu.dma_semaphore, #tpu.memory_space<semaphore_mem>>) {add = true}
    %dma_start3A_253 = arith.constant 34 : i32
    %dma_start3A_254 = arith.constant 0 : i32
    %dma_start3A_255 = tpu.memref_slice %arg5[%dma_start3A_253, %dma_start3A_254] : memref<50x128xi32, #tpu.memory_space<vmem>> -> memref<1x128xi32, #tpu.memory_space<vmem>>
    %dma_start3A_256 = tpu.memref_squeeze %dma_start3A_255 : memref<1x128xi32, #tpu.memory_space<vmem>> -> memref<128xi32, #tpu.memory_space<vmem>>
    %dma_start3A_257 = arith.constant 0 : i32
    %dma_start3A_258 = arith.constant 0 : i32
    %dma_start3A_259 = tpu.memref_slice %arg3[%dma_start3A_257, %dma_start3A_258] : memref<100000x128xf32, #tpu.memory_space<hbm>> -> memref<100000x128xf32, #tpu.memory_space<hbm>>
    tpu.enqueue_indirect_dma source(%dma_start3A_259 : memref<100000x128xf32, #tpu.memory_space<hbm>>) target(%arg6 : memref<128x128xf32, #tpu.memory_space<vmem>>) offsets(%dma_start3A_256 : memref<128xi32, #tpu.memory_space<vmem>>) semaphore(%arg8 : memref<!tpu.dma_semaphore, #tpu.memory_space<semaphore_mem>>) {add = true}
    %dma_start3A_260 = arith.constant 35 : i32
    %dma_start3A_261 = arith.constant 0 : i32
    %dma_start3A_262 = tpu.memref_slice %arg5[%dma_start3A_260, %dma_start3A_261] : memref<50x128xi32, #tpu.memory_space<vmem>> -> memref<1x128xi32, #tpu.memory_space<vmem>>
    %dma_start3A_263 = tpu.memref_squeeze %dma_start3A_262 : memref<1x128xi32, #tpu.memory_space<vmem>> -> memref<128xi32, #tpu.memory_space<vmem>>
    %dma_start3A_264 = arith.constant 0 : i32
    %dma_start3A_265 = arith.constant 0 : i32
    %dma_start3A_266 = tpu.memref_slice %arg3[%dma_start3A_264, %dma_start3A_265] : memref<100000x128xf32, #tpu.memory_space<hbm>> -> memref<100000x128xf32, #tpu.memory_space<hbm>>
    tpu.enqueue_indirect_dma source(%dma_start3A_266 : memref<100000x128xf32, #tpu.memory_space<hbm>>) target(%arg7 : memref<128x128xf32, #tpu.memory_space<vmem>>) offsets(%dma_start3A_263 : memref<128xi32, #tpu.memory_space<vmem>>) semaphore(%arg9 : memref<!tpu.dma_semaphore, #tpu.memory_space<semaphore_mem>>) {add = true}
    %dma_start3A_267 = arith.constant 36 : i32
    %dma_start3A_268 = arith.constant 0 : i32
    %dma_start3A_269 = tpu.memref_slice %arg5[%dma_start3A_267, %dma_start3A_268] : memref<50x128xi32, #tpu.memory_space<vmem>> -> memref<1x128xi32, #tpu.memory_space<vmem>>
    %dma_start3A_270 = tpu.memref_squeeze %dma_start3A_269 : memref<1x128xi32, #tpu.memory_space<vmem>> -> memref<128xi32, #tpu.memory_space<vmem>>
    %dma_start3A_271 = arith.constant 0 : i32
    %dma_start3A_272 = arith.constant 0 : i32
    %dma_start3A_273 = tpu.memref_slice %arg3[%dma_start3A_271, %dma_start3A_272] : memref<100000x128xf32, #tpu.memory_space<hbm>> -> memref<100000x128xf32, #tpu.memory_space<hbm>>
    tpu.enqueue_indirect_dma source(%dma_start3A_273 : memref<100000x128xf32, #tpu.memory_space<hbm>>) target(%arg6 : memref<128x128xf32, #tpu.memory_space<vmem>>) offsets(%dma_start3A_270 : memref<128xi32, #tpu.memory_space<vmem>>) semaphore(%arg8 : memref<!tpu.dma_semaphore, #tpu.memory_space<semaphore_mem>>) {add = true}
    %dma_start3A_274 = arith.constant 37 : i32
    %dma_start3A_275 = arith.constant 0 : i32
    %dma_start3A_276 = tpu.memref_slice %arg5[%dma_start3A_274, %dma_start3A_275] : memref<50x128xi32, #tpu.memory_space<vmem>> -> memref<1x128xi32, #tpu.memory_space<vmem>>
    %dma_start3A_277 = tpu.memref_squeeze %dma_start3A_276 : memref<1x128xi32, #tpu.memory_space<vmem>> -> memref<128xi32, #tpu.memory_space<vmem>>
    %dma_start3A_278 = arith.constant 0 : i32
    %dma_start3A_279 = arith.constant 0 : i32
    %dma_start3A_280 = tpu.memref_slice %arg3[%dma_start3A_278, %dma_start3A_279] : memref<100000x128xf32, #tpu.memory_space<hbm>> -> memref<100000x128xf32, #tpu.memory_space<hbm>>
    tpu.enqueue_indirect_dma source(%dma_start3A_280 : memref<100000x128xf32, #tpu.memory_space<hbm>>) target(%arg7 : memref<128x128xf32, #tpu.memory_space<vmem>>) offsets(%dma_start3A_277 : memref<128xi32, #tpu.memory_space<vmem>>) semaphore(%arg9 : memref<!tpu.dma_semaphore, #tpu.memory_space<semaphore_mem>>) {add = true}
    %dma_start3A_281 = arith.constant 38 : i32
    %dma_start3A_282 = arith.constant 0 : i32
    %dma_start3A_283 = tpu.memref_slice %arg5[%dma_start3A_281, %dma_start3A_282] : memref<50x128xi32, #tpu.memory_space<vmem>> -> memref<1x128xi32, #tpu.memory_space<vmem>>
    %dma_start3A_284 = tpu.memref_squeeze %dma_start3A_283 : memref<1x128xi32, #tpu.memory_space<vmem>> -> memref<128xi32, #tpu.memory_space<vmem>>
    %dma_start3A_285 = arith.constant 0 : i32
    %dma_start3A_286 = arith.constant 0 : i32
    %dma_start3A_287 = tpu.memref_slice %arg3[%dma_start3A_285, %dma_start3A_286] : memref<100000x128xf32, #tpu.memory_space<hbm>> -> memref<100000x128xf32, #tpu.memory_space<hbm>>
    tpu.enqueue_indirect_dma source(%dma_start3A_287 : memref<100000x128xf32, #tpu.memory_space<hbm>>) target(%arg6 : memref<128x128xf32, #tpu.memory_space<vmem>>) offsets(%dma_start3A_284 : memref<128xi32, #tpu.memory_space<vmem>>) semaphore(%arg8 : memref<!tpu.dma_semaphore, #tpu.memory_space<semaphore_mem>>) {add = true}
    %dma_start3A_288 = arith.constant 39 : i32
    %dma_start3A_289 = arith.constant 0 : i32
    %dma_start3A_290 = tpu.memref_slice %arg5[%dma_start3A_288, %dma_start3A_289] : memref<50x128xi32, #tpu.memory_space<vmem>> -> memref<1x128xi32, #tpu.memory_space<vmem>>
    %dma_start3A_291 = tpu.memref_squeeze %dma_start3A_290 : memref<1x128xi32, #tpu.memory_space<vmem>> -> memref<128xi32, #tpu.memory_space<vmem>>
    %dma_start3A_292 = arith.constant 0 : i32
    %dma_start3A_293 = arith.constant 0 : i32
    %dma_start3A_294 = tpu.memref_slice %arg3[%dma_start3A_292, %dma_start3A_293] : memref<100000x128xf32, #tpu.memory_space<hbm>> -> memref<100000x128xf32, #tpu.memory_space<hbm>>
    tpu.enqueue_indirect_dma source(%dma_start3A_294 : memref<100000x128xf32, #tpu.memory_space<hbm>>) target(%arg7 : memref<128x128xf32, #tpu.memory_space<vmem>>) offsets(%dma_start3A_291 : memref<128xi32, #tpu.memory_space<vmem>>) semaphore(%arg9 : memref<!tpu.dma_semaphore, #tpu.memory_space<semaphore_mem>>) {add = true}
    %dma_start3A_295 = arith.constant 40 : i32
    %dma_start3A_296 = arith.constant 0 : i32
    %dma_start3A_297 = tpu.memref_slice %arg5[%dma_start3A_295, %dma_start3A_296] : memref<50x128xi32, #tpu.memory_space<vmem>> -> memref<1x128xi32, #tpu.memory_space<vmem>>
    %dma_start3A_298 = tpu.memref_squeeze %dma_start3A_297 : memref<1x128xi32, #tpu.memory_space<vmem>> -> memref<128xi32, #tpu.memory_space<vmem>>
    %dma_start3A_299 = arith.constant 0 : i32
    %dma_start3A_300 = arith.constant 0 : i32
    %dma_start3A_301 = tpu.memref_slice %arg3[%dma_start3A_299, %dma_start3A_300] : memref<100000x128xf32, #tpu.memory_space<hbm>> -> memref<100000x128xf32, #tpu.memory_space<hbm>>
    tpu.enqueue_indirect_dma source(%dma_start3A_301 : memref<100000x128xf32, #tpu.memory_space<hbm>>) target(%arg6 : memref<128x128xf32, #tpu.memory_space<vmem>>) offsets(%dma_start3A_298 : memref<128xi32, #tpu.memory_space<vmem>>) semaphore(%arg8 : memref<!tpu.dma_semaphore, #tpu.memory_space<semaphore_mem>>) {add = true}
    %dma_start3A_302 = arith.constant 41 : i32
    %dma_start3A_303 = arith.constant 0 : i32
    %dma_start3A_304 = tpu.memref_slice %arg5[%dma_start3A_302, %dma_start3A_303] : memref<50x128xi32, #tpu.memory_space<vmem>> -> memref<1x128xi32, #tpu.memory_space<vmem>>
    %dma_start3A_305 = tpu.memref_squeeze %dma_start3A_304 : memref<1x128xi32, #tpu.memory_space<vmem>> -> memref<128xi32, #tpu.memory_space<vmem>>
    %dma_start3A_306 = arith.constant 0 : i32
    %dma_start3A_307 = arith.constant 0 : i32
    %dma_start3A_308 = tpu.memref_slice %arg3[%dma_start3A_306, %dma_start3A_307] : memref<100000x128xf32, #tpu.memory_space<hbm>> -> memref<100000x128xf32, #tpu.memory_space<hbm>>
    tpu.enqueue_indirect_dma source(%dma_start3A_308 : memref<100000x128xf32, #tpu.memory_space<hbm>>) target(%arg7 : memref<128x128xf32, #tpu.memory_space<vmem>>) offsets(%dma_start3A_305 : memref<128xi32, #tpu.memory_space<vmem>>) semaphore(%arg9 : memref<!tpu.dma_semaphore, #tpu.memory_space<semaphore_mem>>) {add = true}
    %dma_start3A_309 = arith.constant 42 : i32
    %dma_start3A_310 = arith.constant 0 : i32
    %dma_start3A_311 = tpu.memref_slice %arg5[%dma_start3A_309, %dma_start3A_310] : memref<50x128xi32, #tpu.memory_space<vmem>> -> memref<1x128xi32, #tpu.memory_space<vmem>>
    %dma_start3A_312 = tpu.memref_squeeze %dma_start3A_311 : memref<1x128xi32, #tpu.memory_space<vmem>> -> memref<128xi32, #tpu.memory_space<vmem>>
    %dma_start3A_313 = arith.constant 0 : i32
    %dma_start3A_314 = arith.constant 0 : i32
    %dma_start3A_315 = tpu.memref_slice %arg3[%dma_start3A_313, %dma_start3A_314] : memref<100000x128xf32, #tpu.memory_space<hbm>> -> memref<100000x128xf32, #tpu.memory_space<hbm>>
    tpu.enqueue_indirect_dma source(%dma_start3A_315 : memref<100000x128xf32, #tpu.memory_space<hbm>>) target(%arg6 : memref<128x128xf32, #tpu.memory_space<vmem>>) offsets(%dma_start3A_312 : memref<128xi32, #tpu.memory_space<vmem>>) semaphore(%arg8 : memref<!tpu.dma_semaphore, #tpu.memory_space<semaphore_mem>>) {add = true}
    %dma_start3A_316 = arith.constant 43 : i32
    %dma_start3A_317 = arith.constant 0 : i32
    %dma_start3A_318 = tpu.memref_slice %arg5[%dma_start3A_316, %dma_start3A_317] : memref<50x128xi32, #tpu.memory_space<vmem>> -> memref<1x128xi32, #tpu.memory_space<vmem>>
    %dma_start3A_319 = tpu.memref_squeeze %dma_start3A_318 : memref<1x128xi32, #tpu.memory_space<vmem>> -> memref<128xi32, #tpu.memory_space<vmem>>
    %dma_start3A_320 = arith.constant 0 : i32
    %dma_start3A_321 = arith.constant 0 : i32
    %dma_start3A_322 = tpu.memref_slice %arg3[%dma_start3A_320, %dma_start3A_321] : memref<100000x128xf32, #tpu.memory_space<hbm>> -> memref<100000x128xf32, #tpu.memory_space<hbm>>
    tpu.enqueue_indirect_dma source(%dma_start3A_322 : memref<100000x128xf32, #tpu.memory_space<hbm>>) target(%arg7 : memref<128x128xf32, #tpu.memory_space<vmem>>) offsets(%dma_start3A_319 : memref<128xi32, #tpu.memory_space<vmem>>) semaphore(%arg9 : memref<!tpu.dma_semaphore, #tpu.memory_space<semaphore_mem>>) {add = true}
    %dma_start3A_323 = arith.constant 44 : i32
    %dma_start3A_324 = arith.constant 0 : i32
    %dma_start3A_325 = tpu.memref_slice %arg5[%dma_start3A_323, %dma_start3A_324] : memref<50x128xi32, #tpu.memory_space<vmem>> -> memref<1x128xi32, #tpu.memory_space<vmem>>
    %dma_start3A_326 = tpu.memref_squeeze %dma_start3A_325 : memref<1x128xi32, #tpu.memory_space<vmem>> -> memref<128xi32, #tpu.memory_space<vmem>>
    %dma_start3A_327 = arith.constant 0 : i32
    %dma_start3A_328 = arith.constant 0 : i32
    %dma_start3A_329 = tpu.memref_slice %arg3[%dma_start3A_327, %dma_start3A_328] : memref<100000x128xf32, #tpu.memory_space<hbm>> -> memref<100000x128xf32, #tpu.memory_space<hbm>>
    tpu.enqueue_indirect_dma source(%dma_start3A_329 : memref<100000x128xf32, #tpu.memory_space<hbm>>) target(%arg6 : memref<128x128xf32, #tpu.memory_space<vmem>>) offsets(%dma_start3A_326 : memref<128xi32, #tpu.memory_space<vmem>>) semaphore(%arg8 : memref<!tpu.dma_semaphore, #tpu.memory_space<semaphore_mem>>) {add = true}
    %dma_start3A_330 = arith.constant 45 : i32
    %dma_start3A_331 = arith.constant 0 : i32
    %dma_start3A_332 = tpu.memref_slice %arg5[%dma_start3A_330, %dma_start3A_331] : memref<50x128xi32, #tpu.memory_space<vmem>> -> memref<1x128xi32, #tpu.memory_space<vmem>>
    %dma_start3A_333 = tpu.memref_squeeze %dma_start3A_332 : memref<1x128xi32, #tpu.memory_space<vmem>> -> memref<128xi32, #tpu.memory_space<vmem>>
    %dma_start3A_334 = arith.constant 0 : i32
    %dma_start3A_335 = arith.constant 0 : i32
    %dma_start3A_336 = tpu.memref_slice %arg3[%dma_start3A_334, %dma_start3A_335] : memref<100000x128xf32, #tpu.memory_space<hbm>> -> memref<100000x128xf32, #tpu.memory_space<hbm>>
    tpu.enqueue_indirect_dma source(%dma_start3A_336 : memref<100000x128xf32, #tpu.memory_space<hbm>>) target(%arg7 : memref<128x128xf32, #tpu.memory_space<vmem>>) offsets(%dma_start3A_333 : memref<128xi32, #tpu.memory_space<vmem>>) semaphore(%arg9 : memref<!tpu.dma_semaphore, #tpu.memory_space<semaphore_mem>>) {add = true}
    %dma_start3A_337 = arith.constant 46 : i32
    %dma_start3A_338 = arith.constant 0 : i32
    %dma_start3A_339 = tpu.memref_slice %arg5[%dma_start3A_337, %dma_start3A_338] : memref<50x128xi32, #tpu.memory_space<vmem>> -> memref<1x128xi32, #tpu.memory_space<vmem>>
    %dma_start3A_340 = tpu.memref_squeeze %dma_start3A_339 : memref<1x128xi32, #tpu.memory_space<vmem>> -> memref<128xi32, #tpu.memory_space<vmem>>
    %dma_start3A_341 = arith.constant 0 : i32
    %dma_start3A_342 = arith.constant 0 : i32
    %dma_start3A_343 = tpu.memref_slice %arg3[%dma_start3A_341, %dma_start3A_342] : memref<100000x128xf32, #tpu.memory_space<hbm>> -> memref<100000x128xf32, #tpu.memory_space<hbm>>
    tpu.enqueue_indirect_dma source(%dma_start3A_343 : memref<100000x128xf32, #tpu.memory_space<hbm>>) target(%arg6 : memref<128x128xf32, #tpu.memory_space<vmem>>) offsets(%dma_start3A_340 : memref<128xi32, #tpu.memory_space<vmem>>) semaphore(%arg8 : memref<!tpu.dma_semaphore, #tpu.memory_space<semaphore_mem>>) {add = true}
    %dma_start3A_344 = arith.constant 47 : i32
    %dma_start3A_345 = arith.constant 0 : i32
    %dma_start3A_346 = tpu.memref_slice %arg5[%dma_start3A_344, %dma_start3A_345] : memref<50x128xi32, #tpu.memory_space<vmem>> -> memref<1x128xi32, #tpu.memory_space<vmem>>
    %dma_start3A_347 = tpu.memref_squeeze %dma_start3A_346 : memref<1x128xi32, #tpu.memory_space<vmem>> -> memref<128xi32, #tpu.memory_space<vmem>>
    %dma_start3A_348 = arith.constant 0 : i32
    %dma_start3A_349 = arith.constant 0 : i32
    %dma_start3A_350 = tpu.memref_slice %arg3[%dma_start3A_348, %dma_start3A_349] : memref<100000x128xf32, #tpu.memory_space<hbm>> -> memref<100000x128xf32, #tpu.memory_space<hbm>>
    tpu.enqueue_indirect_dma source(%dma_start3A_350 : memref<100000x128xf32, #tpu.memory_space<hbm>>) target(%arg7 : memref<128x128xf32, #tpu.memory_space<vmem>>) offsets(%dma_start3A_347 : memref<128xi32, #tpu.memory_space<vmem>>) semaphore(%arg9 : memref<!tpu.dma_semaphore, #tpu.memory_space<semaphore_mem>>) {add = true}
    %dma_start3A_351 = arith.constant 48 : i32
    %dma_start3A_352 = arith.constant 0 : i32
    %dma_start3A_353 = tpu.memref_slice %arg5[%dma_start3A_351, %dma_start3A_352] : memref<50x128xi32, #tpu.memory_space<vmem>> -> memref<1x128xi32, #tpu.memory_space<vmem>>
    %dma_start3A_354 = tpu.memref_squeeze %dma_start3A_353 : memref<1x128xi32, #tpu.memory_space<vmem>> -> memref<128xi32, #tpu.memory_space<vmem>>
    %dma_start3A_355 = arith.constant 0 : i32
    %dma_start3A_356 = arith.constant 0 : i32
    %dma_start3A_357 = tpu.memref_slice %arg3[%dma_start3A_355, %dma_start3A_356] : memref<100000x128xf32, #tpu.memory_space<hbm>> -> memref<100000x128xf32, #tpu.memory_space<hbm>>
    tpu.enqueue_indirect_dma source(%dma_start3A_357 : memref<100000x128xf32, #tpu.memory_space<hbm>>) target(%arg6 : memref<128x128xf32, #tpu.memory_space<vmem>>) offsets(%dma_start3A_354 : memref<128xi32, #tpu.memory_space<vmem>>) semaphore(%arg8 : memref<!tpu.dma_semaphore, #tpu.memory_space<semaphore_mem>>) {add = true}
    %dma_start3A_358 = arith.constant 49 : i32
    %dma_start3A_359 = arith.constant 0 : i32
    %dma_start3A_360 = tpu.memref_slice %arg5[%dma_start3A_358, %dma_start3A_359] : memref<50x128xi32, #tpu.memory_space<vmem>> -> memref<1x128xi32, #tpu.memory_space<vmem>>
    %dma_start3A_361 = tpu.memref_squeeze %dma_start3A_360 : memref<1x128xi32, #tpu.memory_space<vmem>> -> memref<128xi32, #tpu.memory_space<vmem>>
    %dma_start3A_362 = arith.constant 0 : i32
    %dma_start3A_363 = arith.constant 0 : i32
    %dma_start3A_364 = tpu.memref_slice %arg3[%dma_start3A_362, %dma_start3A_363] : memref<100000x128xf32, #tpu.memory_space<hbm>> -> memref<100000x128xf32, #tpu.memory_space<hbm>>
    tpu.enqueue_indirect_dma source(%dma_start3A_364 : memref<100000x128xf32, #tpu.memory_space<hbm>>) target(%arg7 : memref<128x128xf32, #tpu.memory_space<vmem>>) offsets(%dma_start3A_361 : memref<128xi32, #tpu.memory_space<vmem>>) semaphore(%arg9 : memref<!tpu.dma_semaphore, #tpu.memory_space<semaphore_mem>>) {add = true}
    %dma_wait3A_365 = arith.constant 2 : i32
    %dma_wait3A_366 = arith.constant 0 : i32
    %dma_wait3A_367 = tpu.memref_slice %arg5[%dma_wait3A_365, %dma_wait3A_366] : memref<50x128xi32, #tpu.memory_space<vmem>> -> memref<1x128xi32, #tpu.memory_space<vmem>>
    %dma_wait3A_368 = tpu.memref_squeeze %dma_wait3A_367 : memref<1x128xi32, #tpu.memory_space<vmem>> -> memref<128xi32, #tpu.memory_space<vmem>>
    %dma_wait3A_369 = arith.constant 0 : i32
    %dma_wait3A_370 = arith.constant 0 : i32
    %dma_wait3A_371 = tpu.memref_slice %arg3[%dma_wait3A_369, %dma_wait3A_370] : memref<100000x128xf32, #tpu.memory_space<hbm>> -> memref<100000x128xf32, #tpu.memory_space<hbm>>
    tpu.wait_indirect_dma semaphore(%arg8 : memref<!tpu.dma_semaphore, #tpu.memory_space<semaphore_mem>>) src(%dma_wait3A_371 : memref<100000x128xf32, #tpu.memory_space<hbm>>) dst(%arg6 : memref<128x128xf32, #tpu.memory_space<vmem>>)
    %dma_wait3A_372 = arith.constant 3 : i32
    %dma_wait3A_373 = arith.constant 0 : i32
    %dma_wait3A_374 = tpu.memref_slice %arg5[%dma_wait3A_372, %dma_wait3A_373] : memref<50x128xi32, #tpu.memory_space<vmem>> -> memref<1x128xi32, #tpu.memory_space<vmem>>
    %dma_wait3A_375 = tpu.memref_squeeze %dma_wait3A_374 : memref<1x128xi32, #tpu.memory_space<vmem>> -> memref<128xi32, #tpu.memory_space<vmem>>
    %dma_wait3A_376 = arith.constant 0 : i32
    %dma_wait3A_377 = arith.constant 0 : i32
    %dma_wait3A_378 = tpu.memref_slice %arg3[%dma_wait3A_376, %dma_wait3A_377] : memref<100000x128xf32, #tpu.memory_space<hbm>> -> memref<100000x128xf32, #tpu.memory_space<hbm>>
    tpu.wait_indirect_dma semaphore(%arg9 : memref<!tpu.dma_semaphore, #tpu.memory_space<semaphore_mem>>) src(%dma_wait3A_378 : memref<100000x128xf32, #tpu.memory_space<hbm>>) dst(%arg7 : memref<128x128xf32, #tpu.memory_space<vmem>>)
    %dma_wait3A_379 = arith.constant 4 : i32
    %dma_wait3A_380 = arith.constant 0 : i32
    %dma_wait3A_381 = tpu.memref_slice %arg5[%dma_wait3A_379, %dma_wait3A_380] : memref<50x128xi32, #tpu.memory_space<vmem>> -> memref<1x128xi32, #tpu.memory_space<vmem>>
    %dma_wait3A_382 = tpu.memref_squeeze %dma_wait3A_381 : memref<1x128xi32, #tpu.memory_space<vmem>> -> memref<128xi32, #tpu.memory_space<vmem>>
    %dma_wait3A_383 = arith.constant 0 : i32
    %dma_wait3A_384 = arith.constant 0 : i32
    %dma_wait3A_385 = tpu.memref_slice %arg3[%dma_wait3A_383, %dma_wait3A_384] : memref<100000x128xf32, #tpu.memory_space<hbm>> -> memref<100000x128xf32, #tpu.memory_space<hbm>>
    tpu.wait_indirect_dma semaphore(%arg8 : memref<!tpu.dma_semaphore, #tpu.memory_space<semaphore_mem>>) src(%dma_wait3A_385 : memref<100000x128xf32, #tpu.memory_space<hbm>>) dst(%arg6 : memref<128x128xf32, #tpu.memory_space<vmem>>)
    %dma_wait3A_386 = arith.constant 5 : i32
    %dma_wait3A_387 = arith.constant 0 : i32
    %dma_wait3A_388 = tpu.memref_slice %arg5[%dma_wait3A_386, %dma_wait3A_387] : memref<50x128xi32, #tpu.memory_space<vmem>> -> memref<1x128xi32, #tpu.memory_space<vmem>>
    %dma_wait3A_389 = tpu.memref_squeeze %dma_wait3A_388 : memref<1x128xi32, #tpu.memory_space<vmem>> -> memref<128xi32, #tpu.memory_space<vmem>>
    %dma_wait3A_390 = arith.constant 0 : i32
    %dma_wait3A_391 = arith.constant 0 : i32
    %dma_wait3A_392 = tpu.memref_slice %arg3[%dma_wait3A_390, %dma_wait3A_391] : memref<100000x128xf32, #tpu.memory_space<hbm>> -> memref<100000x128xf32, #tpu.memory_space<hbm>>
    tpu.wait_indirect_dma semaphore(%arg9 : memref<!tpu.dma_semaphore, #tpu.memory_space<semaphore_mem>>) src(%dma_wait3A_392 : memref<100000x128xf32, #tpu.memory_space<hbm>>) dst(%arg7 : memref<128x128xf32, #tpu.memory_space<vmem>>)
    %dma_wait3A_393 = arith.constant 6 : i32
    %dma_wait3A_394 = arith.constant 0 : i32
    %dma_wait3A_395 = tpu.memref_slice %arg5[%dma_wait3A_393, %dma_wait3A_394] : memref<50x128xi32, #tpu.memory_space<vmem>> -> memref<1x128xi32, #tpu.memory_space<vmem>>
    %dma_wait3A_396 = tpu.memref_squeeze %dma_wait3A_395 : memref<1x128xi32, #tpu.memory_space<vmem>> -> memref<128xi32, #tpu.memory_space<vmem>>
    %dma_wait3A_397 = arith.constant 0 : i32
    %dma_wait3A_398 = arith.constant 0 : i32
    %dma_wait3A_399 = tpu.memref_slice %arg3[%dma_wait3A_397, %dma_wait3A_398] : memref<100000x128xf32, #tpu.memory_space<hbm>> -> memref<100000x128xf32, #tpu.memory_space<hbm>>
    tpu.wait_indirect_dma semaphore(%arg8 : memref<!tpu.dma_semaphore, #tpu.memory_space<semaphore_mem>>) src(%dma_wait3A_399 : memref<100000x128xf32, #tpu.memory_space<hbm>>) dst(%arg6 : memref<128x128xf32, #tpu.memory_space<vmem>>)
    %dma_wait3A_400 = arith.constant 7 : i32
    %dma_wait3A_401 = arith.constant 0 : i32
    %dma_wait3A_402 = tpu.memref_slice %arg5[%dma_wait3A_400, %dma_wait3A_401] : memref<50x128xi32, #tpu.memory_space<vmem>> -> memref<1x128xi32, #tpu.memory_space<vmem>>
    %dma_wait3A_403 = tpu.memref_squeeze %dma_wait3A_402 : memref<1x128xi32, #tpu.memory_space<vmem>> -> memref<128xi32, #tpu.memory_space<vmem>>
    %dma_wait3A_404 = arith.constant 0 : i32
    %dma_wait3A_405 = arith.constant 0 : i32
    %dma_wait3A_406 = tpu.memref_slice %arg3[%dma_wait3A_404, %dma_wait3A_405] : memref<100000x128xf32, #tpu.memory_space<hbm>> -> memref<100000x128xf32, #tpu.memory_space<hbm>>
    tpu.wait_indirect_dma semaphore(%arg9 : memref<!tpu.dma_semaphore, #tpu.memory_space<semaphore_mem>>) src(%dma_wait3A_406 : memref<100000x128xf32, #tpu.memory_space<hbm>>) dst(%arg7 : memref<128x128xf32, #tpu.memory_space<vmem>>)
    %dma_wait3A_407 = arith.constant 8 : i32
    %dma_wait3A_408 = arith.constant 0 : i32
    %dma_wait3A_409 = tpu.memref_slice %arg5[%dma_wait3A_407, %dma_wait3A_408] : memref<50x128xi32, #tpu.memory_space<vmem>> -> memref<1x128xi32, #tpu.memory_space<vmem>>
    %dma_wait3A_410 = tpu.memref_squeeze %dma_wait3A_409 : memref<1x128xi32, #tpu.memory_space<vmem>> -> memref<128xi32, #tpu.memory_space<vmem>>
    %dma_wait3A_411 = arith.constant 0 : i32
    %dma_wait3A_412 = arith.constant 0 : i32
    %dma_wait3A_413 = tpu.memref_slice %arg3[%dma_wait3A_411, %dma_wait3A_412] : memref<100000x128xf32, #tpu.memory_space<hbm>> -> memref<100000x128xf32, #tpu.memory_space<hbm>>
    tpu.wait_indirect_dma semaphore(%arg8 : memref<!tpu.dma_semaphore, #tpu.memory_space<semaphore_mem>>) src(%dma_wait3A_413 : memref<100000x128xf32, #tpu.memory_space<hbm>>) dst(%arg6 : memref<128x128xf32, #tpu.memory_space<vmem>>)
    %dma_wait3A_414 = arith.constant 9 : i32
    %dma_wait3A_415 = arith.constant 0 : i32
    %dma_wait3A_416 = tpu.memref_slice %arg5[%dma_wait3A_414, %dma_wait3A_415] : memref<50x128xi32, #tpu.memory_space<vmem>> -> memref<1x128xi32, #tpu.memory_space<vmem>>
    %dma_wait3A_417 = tpu.memref_squeeze %dma_wait3A_416 : memref<1x128xi32, #tpu.memory_space<vmem>> -> memref<128xi32, #tpu.memory_space<vmem>>
    %dma_wait3A_418 = arith.constant 0 : i32
    %dma_wait3A_419 = arith.constant 0 : i32
    %dma_wait3A_420 = tpu.memref_slice %arg3[%dma_wait3A_418, %dma_wait3A_419] : memref<100000x128xf32, #tpu.memory_space<hbm>> -> memref<100000x128xf32, #tpu.memory_space<hbm>>
    tpu.wait_indirect_dma semaphore(%arg9 : memref<!tpu.dma_semaphore, #tpu.memory_space<semaphore_mem>>) src(%dma_wait3A_420 : memref<100000x128xf32, #tpu.memory_space<hbm>>) dst(%arg7 : memref<128x128xf32, #tpu.memory_space<vmem>>)
    %dma_wait3A_421 = arith.constant 10 : i32
    %dma_wait3A_422 = arith.constant 0 : i32
    %dma_wait3A_423 = tpu.memref_slice %arg5[%dma_wait3A_421, %dma_wait3A_422] : memref<50x128xi32, #tpu.memory_space<vmem>> -> memref<1x128xi32, #tpu.memory_space<vmem>>
    %dma_wait3A_424 = tpu.memref_squeeze %dma_wait3A_423 : memref<1x128xi32, #tpu.memory_space<vmem>> -> memref<128xi32, #tpu.memory_space<vmem>>
    %dma_wait3A_425 = arith.constant 0 : i32
    %dma_wait3A_426 = arith.constant 0 : i32
    %dma_wait3A_427 = tpu.memref_slice %arg3[%dma_wait3A_425, %dma_wait3A_426] : memref<100000x128xf32, #tpu.memory_space<hbm>> -> memref<100000x128xf32, #tpu.memory_space<hbm>>
    tpu.wait_indirect_dma semaphore(%arg8 : memref<!tpu.dma_semaphore, #tpu.memory_space<semaphore_mem>>) src(%dma_wait3A_427 : memref<100000x128xf32, #tpu.memory_space<hbm>>) dst(%arg6 : memref<128x128xf32, #tpu.memory_space<vmem>>)
    %dma_wait3A_428 = arith.constant 11 : i32
    %dma_wait3A_429 = arith.constant 0 : i32
    %dma_wait3A_430 = tpu.memref_slice %arg5[%dma_wait3A_428, %dma_wait3A_429] : memref<50x128xi32, #tpu.memory_space<vmem>> -> memref<1x128xi32, #tpu.memory_space<vmem>>
    %dma_wait3A_431 = tpu.memref_squeeze %dma_wait3A_430 : memref<1x128xi32, #tpu.memory_space<vmem>> -> memref<128xi32, #tpu.memory_space<vmem>>
    %dma_wait3A_432 = arith.constant 0 : i32
    %dma_wait3A_433 = arith.constant 0 : i32
    %dma_wait3A_434 = tpu.memref_slice %arg3[%dma_wait3A_432, %dma_wait3A_433] : memref<100000x128xf32, #tpu.memory_space<hbm>> -> memref<100000x128xf32, #tpu.memory_space<hbm>>
    tpu.wait_indirect_dma semaphore(%arg9 : memref<!tpu.dma_semaphore, #tpu.memory_space<semaphore_mem>>) src(%dma_wait3A_434 : memref<100000x128xf32, #tpu.memory_space<hbm>>) dst(%arg7 : memref<128x128xf32, #tpu.memory_space<vmem>>)
    %dma_wait3A_435 = arith.constant 12 : i32
    %dma_wait3A_436 = arith.constant 0 : i32
    %dma_wait3A_437 = tpu.memref_slice %arg5[%dma_wait3A_435, %dma_wait3A_436] : memref<50x128xi32, #tpu.memory_space<vmem>> -> memref<1x128xi32, #tpu.memory_space<vmem>>
    %dma_wait3A_438 = tpu.memref_squeeze %dma_wait3A_437 : memref<1x128xi32, #tpu.memory_space<vmem>> -> memref<128xi32, #tpu.memory_space<vmem>>
    %dma_wait3A_439 = arith.constant 0 : i32
    %dma_wait3A_440 = arith.constant 0 : i32
    %dma_wait3A_441 = tpu.memref_slice %arg3[%dma_wait3A_439, %dma_wait3A_440] : memref<100000x128xf32, #tpu.memory_space<hbm>> -> memref<100000x128xf32, #tpu.memory_space<hbm>>
    tpu.wait_indirect_dma semaphore(%arg8 : memref<!tpu.dma_semaphore, #tpu.memory_space<semaphore_mem>>) src(%dma_wait3A_441 : memref<100000x128xf32, #tpu.memory_space<hbm>>) dst(%arg6 : memref<128x128xf32, #tpu.memory_space<vmem>>)
    %dma_wait3A_442 = arith.constant 13 : i32
    %dma_wait3A_443 = arith.constant 0 : i32
    %dma_wait3A_444 = tpu.memref_slice %arg5[%dma_wait3A_442, %dma_wait3A_443] : memref<50x128xi32, #tpu.memory_space<vmem>> -> memref<1x128xi32, #tpu.memory_space<vmem>>
    %dma_wait3A_445 = tpu.memref_squeeze %dma_wait3A_444 : memref<1x128xi32, #tpu.memory_space<vmem>> -> memref<128xi32, #tpu.memory_space<vmem>>
    %dma_wait3A_446 = arith.constant 0 : i32
    %dma_wait3A_447 = arith.constant 0 : i32
    %dma_wait3A_448 = tpu.memref_slice %arg3[%dma_wait3A_446, %dma_wait3A_447] : memref<100000x128xf32, #tpu.memory_space<hbm>> -> memref<100000x128xf32, #tpu.memory_space<hbm>>
    tpu.wait_indirect_dma semaphore(%arg9 : memref<!tpu.dma_semaphore, #tpu.memory_space<semaphore_mem>>) src(%dma_wait3A_448 : memref<100000x128xf32, #tpu.memory_space<hbm>>) dst(%arg7 : memref<128x128xf32, #tpu.memory_space<vmem>>)
    %dma_wait3A_449 = arith.constant 14 : i32
    %dma_wait3A_450 = arith.constant 0 : i32
    %dma_wait3A_451 = tpu.memref_slice %arg5[%dma_wait3A_449, %dma_wait3A_450] : memref<50x128xi32, #tpu.memory_space<vmem>> -> memref<1x128xi32, #tpu.memory_space<vmem>>
    %dma_wait3A_452 = tpu.memref_squeeze %dma_wait3A_451 : memref<1x128xi32, #tpu.memory_space<vmem>> -> memref<128xi32, #tpu.memory_space<vmem>>
    %dma_wait3A_453 = arith.constant 0 : i32
    %dma_wait3A_454 = arith.constant 0 : i32
    %dma_wait3A_455 = tpu.memref_slice %arg3[%dma_wait3A_453, %dma_wait3A_454] : memref<100000x128xf32, #tpu.memory_space<hbm>> -> memref<100000x128xf32, #tpu.memory_space<hbm>>
    tpu.wait_indirect_dma semaphore(%arg8 : memref<!tpu.dma_semaphore, #tpu.memory_space<semaphore_mem>>) src(%dma_wait3A_455 : memref<100000x128xf32, #tpu.memory_space<hbm>>) dst(%arg6 : memref<128x128xf32, #tpu.memory_space<vmem>>)
    %dma_wait3A_456 = arith.constant 15 : i32
    %dma_wait3A_457 = arith.constant 0 : i32
    %dma_wait3A_458 = tpu.memref_slice %arg5[%dma_wait3A_456, %dma_wait3A_457] : memref<50x128xi32, #tpu.memory_space<vmem>> -> memref<1x128xi32, #tpu.memory_space<vmem>>
    %dma_wait3A_459 = tpu.memref_squeeze %dma_wait3A_458 : memref<1x128xi32, #tpu.memory_space<vmem>> -> memref<128xi32, #tpu.memory_space<vmem>>
    %dma_wait3A_460 = arith.constant 0 : i32
    %dma_wait3A_461 = arith.constant 0 : i32
    %dma_wait3A_462 = tpu.memref_slice %arg3[%dma_wait3A_460, %dma_wait3A_461] : memref<100000x128xf32, #tpu.memory_space<hbm>> -> memref<100000x128xf32, #tpu.memory_space<hbm>>
    tpu.wait_indirect_dma semaphore(%arg9 : memref<!tpu.dma_semaphore, #tpu.memory_space<semaphore_mem>>) src(%dma_wait3A_462 : memref<100000x128xf32, #tpu.memory_space<hbm>>) dst(%arg7 : memref<128x128xf32, #tpu.memory_space<vmem>>)
    %dma_wait3A_463 = arith.constant 16 : i32
    %dma_wait3A_464 = arith.constant 0 : i32
    %dma_wait3A_465 = tpu.memref_slice %arg5[%dma_wait3A_463, %dma_wait3A_464] : memref<50x128xi32, #tpu.memory_space<vmem>> -> memref<1x128xi32, #tpu.memory_space<vmem>>
    %dma_wait3A_466 = tpu.memref_squeeze %dma_wait3A_465 : memref<1x128xi32, #tpu.memory_space<vmem>> -> memref<128xi32, #tpu.memory_space<vmem>>
    %dma_wait3A_467 = arith.constant 0 : i32
    %dma_wait3A_468 = arith.constant 0 : i32
    %dma_wait3A_469 = tpu.memref_slice %arg3[%dma_wait3A_467, %dma_wait3A_468] : memref<100000x128xf32, #tpu.memory_space<hbm>> -> memref<100000x128xf32, #tpu.memory_space<hbm>>
    tpu.wait_indirect_dma semaphore(%arg8 : memref<!tpu.dma_semaphore, #tpu.memory_space<semaphore_mem>>) src(%dma_wait3A_469 : memref<100000x128xf32, #tpu.memory_space<hbm>>) dst(%arg6 : memref<128x128xf32, #tpu.memory_space<vmem>>)
    %dma_wait3A_470 = arith.constant 17 : i32
    %dma_wait3A_471 = arith.constant 0 : i32
    %dma_wait3A_472 = tpu.memref_slice %arg5[%dma_wait3A_470, %dma_wait3A_471] : memref<50x128xi32, #tpu.memory_space<vmem>> -> memref<1x128xi32, #tpu.memory_space<vmem>>
    %dma_wait3A_473 = tpu.memref_squeeze %dma_wait3A_472 : memref<1x128xi32, #tpu.memory_space<vmem>> -> memref<128xi32, #tpu.memory_space<vmem>>
    %dma_wait3A_474 = arith.constant 0 : i32
    %dma_wait3A_475 = arith.constant 0 : i32
    %dma_wait3A_476 = tpu.memref_slice %arg3[%dma_wait3A_474, %dma_wait3A_475] : memref<100000x128xf32, #tpu.memory_space<hbm>> -> memref<100000x128xf32, #tpu.memory_space<hbm>>
    tpu.wait_indirect_dma semaphore(%arg9 : memref<!tpu.dma_semaphore, #tpu.memory_space<semaphore_mem>>) src(%dma_wait3A_476 : memref<100000x128xf32, #tpu.memory_space<hbm>>) dst(%arg7 : memref<128x128xf32, #tpu.memory_space<vmem>>)
    %dma_wait3A_477 = arith.constant 18 : i32
    %dma_wait3A_478 = arith.constant 0 : i32
    %dma_wait3A_479 = tpu.memref_slice %arg5[%dma_wait3A_477, %dma_wait3A_478] : memref<50x128xi32, #tpu.memory_space<vmem>> -> memref<1x128xi32, #tpu.memory_space<vmem>>
    %dma_wait3A_480 = tpu.memref_squeeze %dma_wait3A_479 : memref<1x128xi32, #tpu.memory_space<vmem>> -> memref<128xi32, #tpu.memory_space<vmem>>
    %dma_wait3A_481 = arith.constant 0 : i32
    %dma_wait3A_482 = arith.constant 0 : i32
    %dma_wait3A_483 = tpu.memref_slice %arg3[%dma_wait3A_481, %dma_wait3A_482] : memref<100000x128xf32, #tpu.memory_space<hbm>> -> memref<100000x128xf32, #tpu.memory_space<hbm>>
    tpu.wait_indirect_dma semaphore(%arg8 : memref<!tpu.dma_semaphore, #tpu.memory_space<semaphore_mem>>) src(%dma_wait3A_483 : memref<100000x128xf32, #tpu.memory_space<hbm>>) dst(%arg6 : memref<128x128xf32, #tpu.memory_space<vmem>>)
    %dma_wait3A_484 = arith.constant 19 : i32
    %dma_wait3A_485 = arith.constant 0 : i32
    %dma_wait3A_486 = tpu.memref_slice %arg5[%dma_wait3A_484, %dma_wait3A_485] : memref<50x128xi32, #tpu.memory_space<vmem>> -> memref<1x128xi32, #tpu.memory_space<vmem>>
    %dma_wait3A_487 = tpu.memref_squeeze %dma_wait3A_486 : memref<1x128xi32, #tpu.memory_space<vmem>> -> memref<128xi32, #tpu.memory_space<vmem>>
    %dma_wait3A_488 = arith.constant 0 : i32
    %dma_wait3A_489 = arith.constant 0 : i32
    %dma_wait3A_490 = tpu.memref_slice %arg3[%dma_wait3A_488, %dma_wait3A_489] : memref<100000x128xf32, #tpu.memory_space<hbm>> -> memref<100000x128xf32, #tpu.memory_space<hbm>>
    tpu.wait_indirect_dma semaphore(%arg9 : memref<!tpu.dma_semaphore, #tpu.memory_space<semaphore_mem>>) src(%dma_wait3A_490 : memref<100000x128xf32, #tpu.memory_space<hbm>>) dst(%arg7 : memref<128x128xf32, #tpu.memory_space<vmem>>)
    %dma_wait3A_491 = arith.constant 20 : i32
    %dma_wait3A_492 = arith.constant 0 : i32
    %dma_wait3A_493 = tpu.memref_slice %arg5[%dma_wait3A_491, %dma_wait3A_492] : memref<50x128xi32, #tpu.memory_space<vmem>> -> memref<1x128xi32, #tpu.memory_space<vmem>>
    %dma_wait3A_494 = tpu.memref_squeeze %dma_wait3A_493 : memref<1x128xi32, #tpu.memory_space<vmem>> -> memref<128xi32, #tpu.memory_space<vmem>>
    %dma_wait3A_495 = arith.constant 0 : i32
    %dma_wait3A_496 = arith.constant 0 : i32
    %dma_wait3A_497 = tpu.memref_slice %arg3[%dma_wait3A_495, %dma_wait3A_496] : memref<100000x128xf32, #tpu.memory_space<hbm>> -> memref<100000x128xf32, #tpu.memory_space<hbm>>
    tpu.wait_indirect_dma semaphore(%arg8 : memref<!tpu.dma_semaphore, #tpu.memory_space<semaphore_mem>>) src(%dma_wait3A_497 : memref<100000x128xf32, #tpu.memory_space<hbm>>) dst(%arg6 : memref<128x128xf32, #tpu.memory_space<vmem>>)
    %dma_wait3A_498 = arith.constant 21 : i32
    %dma_wait3A_499 = arith.constant 0 : i32
    %dma_wait3A_500 = tpu.memref_slice %arg5[%dma_wait3A_498, %dma_wait3A_499] : memref<50x128xi32, #tpu.memory_space<vmem>> -> memref<1x128xi32, #tpu.memory_space<vmem>>
    %dma_wait3A_501 = tpu.memref_squeeze %dma_wait3A_500 : memref<1x128xi32, #tpu.memory_space<vmem>> -> memref<128xi32, #tpu.memory_space<vmem>>
    %dma_wait3A_502 = arith.constant 0 : i32
    %dma_wait3A_503 = arith.constant 0 : i32
    %dma_wait3A_504 = tpu.memref_slice %arg3[%dma_wait3A_502, %dma_wait3A_503] : memref<100000x128xf32, #tpu.memory_space<hbm>> -> memref<100000x128xf32, #tpu.memory_space<hbm>>
    tpu.wait_indirect_dma semaphore(%arg9 : memref<!tpu.dma_semaphore, #tpu.memory_space<semaphore_mem>>) src(%dma_wait3A_504 : memref<100000x128xf32, #tpu.memory_space<hbm>>) dst(%arg7 : memref<128x128xf32, #tpu.memory_space<vmem>>)
    %dma_wait3A_505 = arith.constant 22 : i32
    %dma_wait3A_506 = arith.constant 0 : i32
    %dma_wait3A_507 = tpu.memref_slice %arg5[%dma_wait3A_505, %dma_wait3A_506] : memref<50x128xi32, #tpu.memory_space<vmem>> -> memref<1x128xi32, #tpu.memory_space<vmem>>
    %dma_wait3A_508 = tpu.memref_squeeze %dma_wait3A_507 : memref<1x128xi32, #tpu.memory_space<vmem>> -> memref<128xi32, #tpu.memory_space<vmem>>
    %dma_wait3A_509 = arith.constant 0 : i32
    %dma_wait3A_510 = arith.constant 0 : i32
    %dma_wait3A_511 = tpu.memref_slice %arg3[%dma_wait3A_509, %dma_wait3A_510] : memref<100000x128xf32, #tpu.memory_space<hbm>> -> memref<100000x128xf32, #tpu.memory_space<hbm>>
    tpu.wait_indirect_dma semaphore(%arg8 : memref<!tpu.dma_semaphore, #tpu.memory_space<semaphore_mem>>) src(%dma_wait3A_511 : memref<100000x128xf32, #tpu.memory_space<hbm>>) dst(%arg6 : memref<128x128xf32, #tpu.memory_space<vmem>>)
    %dma_wait3A_512 = arith.constant 23 : i32
    %dma_wait3A_513 = arith.constant 0 : i32
    %dma_wait3A_514 = tpu.memref_slice %arg5[%dma_wait3A_512, %dma_wait3A_513] : memref<50x128xi32, #tpu.memory_space<vmem>> -> memref<1x128xi32, #tpu.memory_space<vmem>>
    %dma_wait3A_515 = tpu.memref_squeeze %dma_wait3A_514 : memref<1x128xi32, #tpu.memory_space<vmem>> -> memref<128xi32, #tpu.memory_space<vmem>>
    %dma_wait3A_516 = arith.constant 0 : i32
    %dma_wait3A_517 = arith.constant 0 : i32
    %dma_wait3A_518 = tpu.memref_slice %arg3[%dma_wait3A_516, %dma_wait3A_517] : memref<100000x128xf32, #tpu.memory_space<hbm>> -> memref<100000x128xf32, #tpu.memory_space<hbm>>
    tpu.wait_indirect_dma semaphore(%arg9 : memref<!tpu.dma_semaphore, #tpu.memory_space<semaphore_mem>>) src(%dma_wait3A_518 : memref<100000x128xf32, #tpu.memory_space<hbm>>) dst(%arg7 : memref<128x128xf32, #tpu.memory_space<vmem>>)
    %dma_wait3A_519 = arith.constant 24 : i32
    %dma_wait3A_520 = arith.constant 0 : i32
    %dma_wait3A_521 = tpu.memref_slice %arg5[%dma_wait3A_519, %dma_wait3A_520] : memref<50x128xi32, #tpu.memory_space<vmem>> -> memref<1x128xi32, #tpu.memory_space<vmem>>
    %dma_wait3A_522 = tpu.memref_squeeze %dma_wait3A_521 : memref<1x128xi32, #tpu.memory_space<vmem>> -> memref<128xi32, #tpu.memory_space<vmem>>
    %dma_wait3A_523 = arith.constant 0 : i32
    %dma_wait3A_524 = arith.constant 0 : i32
    %dma_wait3A_525 = tpu.memref_slice %arg3[%dma_wait3A_523, %dma_wait3A_524] : memref<100000x128xf32, #tpu.memory_space<hbm>> -> memref<100000x128xf32, #tpu.memory_space<hbm>>
    tpu.wait_indirect_dma semaphore(%arg8 : memref<!tpu.dma_semaphore, #tpu.memory_space<semaphore_mem>>) src(%dma_wait3A_525 : memref<100000x128xf32, #tpu.memory_space<hbm>>) dst(%arg6 : memref<128x128xf32, #tpu.memory_space<vmem>>)
    %dma_wait3A_526 = arith.constant 25 : i32
    %dma_wait3A_527 = arith.constant 0 : i32
    %dma_wait3A_528 = tpu.memref_slice %arg5[%dma_wait3A_526, %dma_wait3A_527] : memref<50x128xi32, #tpu.memory_space<vmem>> -> memref<1x128xi32, #tpu.memory_space<vmem>>
    %dma_wait3A_529 = tpu.memref_squeeze %dma_wait3A_528 : memref<1x128xi32, #tpu.memory_space<vmem>> -> memref<128xi32, #tpu.memory_space<vmem>>
    %dma_wait3A_530 = arith.constant 0 : i32
    %dma_wait3A_531 = arith.constant 0 : i32
    %dma_wait3A_532 = tpu.memref_slice %arg3[%dma_wait3A_530, %dma_wait3A_531] : memref<100000x128xf32, #tpu.memory_space<hbm>> -> memref<100000x128xf32, #tpu.memory_space<hbm>>
    tpu.wait_indirect_dma semaphore(%arg9 : memref<!tpu.dma_semaphore, #tpu.memory_space<semaphore_mem>>) src(%dma_wait3A_532 : memref<100000x128xf32, #tpu.memory_space<hbm>>) dst(%arg7 : memref<128x128xf32, #tpu.memory_space<vmem>>)
    %dma_wait3A_533 = arith.constant 26 : i32
    %dma_wait3A_534 = arith.constant 0 : i32
    %dma_wait3A_535 = tpu.memref_slice %arg5[%dma_wait3A_533, %dma_wait3A_534] : memref<50x128xi32, #tpu.memory_space<vmem>> -> memref<1x128xi32, #tpu.memory_space<vmem>>
    %dma_wait3A_536 = tpu.memref_squeeze %dma_wait3A_535 : memref<1x128xi32, #tpu.memory_space<vmem>> -> memref<128xi32, #tpu.memory_space<vmem>>
    %dma_wait3A_537 = arith.constant 0 : i32
    %dma_wait3A_538 = arith.constant 0 : i32
    %dma_wait3A_539 = tpu.memref_slice %arg3[%dma_wait3A_537, %dma_wait3A_538] : memref<100000x128xf32, #tpu.memory_space<hbm>> -> memref<100000x128xf32, #tpu.memory_space<hbm>>
    tpu.wait_indirect_dma semaphore(%arg8 : memref<!tpu.dma_semaphore, #tpu.memory_space<semaphore_mem>>) src(%dma_wait3A_539 : memref<100000x128xf32, #tpu.memory_space<hbm>>) dst(%arg6 : memref<128x128xf32, #tpu.memory_space<vmem>>)
    %dma_wait3A_540 = arith.constant 27 : i32
    %dma_wait3A_541 = arith.constant 0 : i32
    %dma_wait3A_542 = tpu.memref_slice %arg5[%dma_wait3A_540, %dma_wait3A_541] : memref<50x128xi32, #tpu.memory_space<vmem>> -> memref<1x128xi32, #tpu.memory_space<vmem>>
    %dma_wait3A_543 = tpu.memref_squeeze %dma_wait3A_542 : memref<1x128xi32, #tpu.memory_space<vmem>> -> memref<128xi32, #tpu.memory_space<vmem>>
    %dma_wait3A_544 = arith.constant 0 : i32
    %dma_wait3A_545 = arith.constant 0 : i32
    %dma_wait3A_546 = tpu.memref_slice %arg3[%dma_wait3A_544, %dma_wait3A_545] : memref<100000x128xf32, #tpu.memory_space<hbm>> -> memref<100000x128xf32, #tpu.memory_space<hbm>>
    tpu.wait_indirect_dma semaphore(%arg9 : memref<!tpu.dma_semaphore, #tpu.memory_space<semaphore_mem>>) src(%dma_wait3A_546 : memref<100000x128xf32, #tpu.memory_space<hbm>>) dst(%arg7 : memref<128x128xf32, #tpu.memory_space<vmem>>)
    %dma_wait3A_547 = arith.constant 28 : i32
    %dma_wait3A_548 = arith.constant 0 : i32
    %dma_wait3A_549 = tpu.memref_slice %arg5[%dma_wait3A_547, %dma_wait3A_548] : memref<50x128xi32, #tpu.memory_space<vmem>> -> memref<1x128xi32, #tpu.memory_space<vmem>>
    %dma_wait3A_550 = tpu.memref_squeeze %dma_wait3A_549 : memref<1x128xi32, #tpu.memory_space<vmem>> -> memref<128xi32, #tpu.memory_space<vmem>>
    %dma_wait3A_551 = arith.constant 0 : i32
    %dma_wait3A_552 = arith.constant 0 : i32
    %dma_wait3A_553 = tpu.memref_slice %arg3[%dma_wait3A_551, %dma_wait3A_552] : memref<100000x128xf32, #tpu.memory_space<hbm>> -> memref<100000x128xf32, #tpu.memory_space<hbm>>
    tpu.wait_indirect_dma semaphore(%arg8 : memref<!tpu.dma_semaphore, #tpu.memory_space<semaphore_mem>>) src(%dma_wait3A_553 : memref<100000x128xf32, #tpu.memory_space<hbm>>) dst(%arg6 : memref<128x128xf32, #tpu.memory_space<vmem>>)
    %dma_wait3A_554 = arith.constant 29 : i32
    %dma_wait3A_555 = arith.constant 0 : i32
    %dma_wait3A_556 = tpu.memref_slice %arg5[%dma_wait3A_554, %dma_wait3A_555] : memref<50x128xi32, #tpu.memory_space<vmem>> -> memref<1x128xi32, #tpu.memory_space<vmem>>
    %dma_wait3A_557 = tpu.memref_squeeze %dma_wait3A_556 : memref<1x128xi32, #tpu.memory_space<vmem>> -> memref<128xi32, #tpu.memory_space<vmem>>
    %dma_wait3A_558 = arith.constant 0 : i32
    %dma_wait3A_559 = arith.constant 0 : i32
    %dma_wait3A_560 = tpu.memref_slice %arg3[%dma_wait3A_558, %dma_wait3A_559] : memref<100000x128xf32, #tpu.memory_space<hbm>> -> memref<100000x128xf32, #tpu.memory_space<hbm>>
    tpu.wait_indirect_dma semaphore(%arg9 : memref<!tpu.dma_semaphore, #tpu.memory_space<semaphore_mem>>) src(%dma_wait3A_560 : memref<100000x128xf32, #tpu.memory_space<hbm>>) dst(%arg7 : memref<128x128xf32, #tpu.memory_space<vmem>>)
    %dma_wait3A_561 = arith.constant 30 : i32
    %dma_wait3A_562 = arith.constant 0 : i32
    %dma_wait3A_563 = tpu.memref_slice %arg5[%dma_wait3A_561, %dma_wait3A_562] : memref<50x128xi32, #tpu.memory_space<vmem>> -> memref<1x128xi32, #tpu.memory_space<vmem>>
    %dma_wait3A_564 = tpu.memref_squeeze %dma_wait3A_563 : memref<1x128xi32, #tpu.memory_space<vmem>> -> memref<128xi32, #tpu.memory_space<vmem>>
    %dma_wait3A_565 = arith.constant 0 : i32
    %dma_wait3A_566 = arith.constant 0 : i32
    %dma_wait3A_567 = tpu.memref_slice %arg3[%dma_wait3A_565, %dma_wait3A_566] : memref<100000x128xf32, #tpu.memory_space<hbm>> -> memref<100000x128xf32, #tpu.memory_space<hbm>>
    tpu.wait_indirect_dma semaphore(%arg8 : memref<!tpu.dma_semaphore, #tpu.memory_space<semaphore_mem>>) src(%dma_wait3A_567 : memref<100000x128xf32, #tpu.memory_space<hbm>>) dst(%arg6 : memref<128x128xf32, #tpu.memory_space<vmem>>)
    %dma_wait3A_568 = arith.constant 31 : i32
    %dma_wait3A_569 = arith.constant 0 : i32
    %dma_wait3A_570 = tpu.memref_slice %arg5[%dma_wait3A_568, %dma_wait3A_569] : memref<50x128xi32, #tpu.memory_space<vmem>> -> memref<1x128xi32, #tpu.memory_space<vmem>>
    %dma_wait3A_571 = tpu.memref_squeeze %dma_wait3A_570 : memref<1x128xi32, #tpu.memory_space<vmem>> -> memref<128xi32, #tpu.memory_space<vmem>>
    %dma_wait3A_572 = arith.constant 0 : i32
    %dma_wait3A_573 = arith.constant 0 : i32
    %dma_wait3A_574 = tpu.memref_slice %arg3[%dma_wait3A_572, %dma_wait3A_573] : memref<100000x128xf32, #tpu.memory_space<hbm>> -> memref<100000x128xf32, #tpu.memory_space<hbm>>
    tpu.wait_indirect_dma semaphore(%arg9 : memref<!tpu.dma_semaphore, #tpu.memory_space<semaphore_mem>>) src(%dma_wait3A_574 : memref<100000x128xf32, #tpu.memory_space<hbm>>) dst(%arg7 : memref<128x128xf32, #tpu.memory_space<vmem>>)
    %dma_wait3A_575 = arith.constant 32 : i32
    %dma_wait3A_576 = arith.constant 0 : i32
    %dma_wait3A_577 = tpu.memref_slice %arg5[%dma_wait3A_575, %dma_wait3A_576] : memref<50x128xi32, #tpu.memory_space<vmem>> -> memref<1x128xi32, #tpu.memory_space<vmem>>
    %dma_wait3A_578 = tpu.memref_squeeze %dma_wait3A_577 : memref<1x128xi32, #tpu.memory_space<vmem>> -> memref<128xi32, #tpu.memory_space<vmem>>
    %dma_wait3A_579 = arith.constant 0 : i32
    %dma_wait3A_580 = arith.constant 0 : i32
    %dma_wait3A_581 = tpu.memref_slice %arg3[%dma_wait3A_579, %dma_wait3A_580] : memref<100000x128xf32, #tpu.memory_space<hbm>> -> memref<100000x128xf32, #tpu.memory_space<hbm>>
    tpu.wait_indirect_dma semaphore(%arg8 : memref<!tpu.dma_semaphore, #tpu.memory_space<semaphore_mem>>) src(%dma_wait3A_581 : memref<100000x128xf32, #tpu.memory_space<hbm>>) dst(%arg6 : memref<128x128xf32, #tpu.memory_space<vmem>>)
    %dma_wait3A_582 = arith.constant 33 : i32
    %dma_wait3A_583 = arith.constant 0 : i32
    %dma_wait3A_584 = tpu.memref_slice %arg5[%dma_wait3A_582, %dma_wait3A_583] : memref<50x128xi32, #tpu.memory_space<vmem>> -> memref<1x128xi32, #tpu.memory_space<vmem>>
    %dma_wait3A_585 = tpu.memref_squeeze %dma_wait3A_584 : memref<1x128xi32, #tpu.memory_space<vmem>> -> memref<128xi32, #tpu.memory_space<vmem>>
    %dma_wait3A_586 = arith.constant 0 : i32
    %dma_wait3A_587 = arith.constant 0 : i32
    %dma_wait3A_588 = tpu.memref_slice %arg3[%dma_wait3A_586, %dma_wait3A_587] : memref<100000x128xf32, #tpu.memory_space<hbm>> -> memref<100000x128xf32, #tpu.memory_space<hbm>>
    tpu.wait_indirect_dma semaphore(%arg9 : memref<!tpu.dma_semaphore, #tpu.memory_space<semaphore_mem>>) src(%dma_wait3A_588 : memref<100000x128xf32, #tpu.memory_space<hbm>>) dst(%arg7 : memref<128x128xf32, #tpu.memory_space<vmem>>)
    %dma_wait3A_589 = arith.constant 34 : i32
    %dma_wait3A_590 = arith.constant 0 : i32
    %dma_wait3A_591 = tpu.memref_slice %arg5[%dma_wait3A_589, %dma_wait3A_590] : memref<50x128xi32, #tpu.memory_space<vmem>> -> memref<1x128xi32, #tpu.memory_space<vmem>>
    %dma_wait3A_592 = tpu.memref_squeeze %dma_wait3A_591 : memref<1x128xi32, #tpu.memory_space<vmem>> -> memref<128xi32, #tpu.memory_space<vmem>>
    %dma_wait3A_593 = arith.constant 0 : i32
    %dma_wait3A_594 = arith.constant 0 : i32
    %dma_wait3A_595 = tpu.memref_slice %arg3[%dma_wait3A_593, %dma_wait3A_594] : memref<100000x128xf32, #tpu.memory_space<hbm>> -> memref<100000x128xf32, #tpu.memory_space<hbm>>
    tpu.wait_indirect_dma semaphore(%arg8 : memref<!tpu.dma_semaphore, #tpu.memory_space<semaphore_mem>>) src(%dma_wait3A_595 : memref<100000x128xf32, #tpu.memory_space<hbm>>) dst(%arg6 : memref<128x128xf32, #tpu.memory_space<vmem>>)
    %dma_wait3A_596 = arith.constant 35 : i32
    %dma_wait3A_597 = arith.constant 0 : i32
    %dma_wait3A_598 = tpu.memref_slice %arg5[%dma_wait3A_596, %dma_wait3A_597] : memref<50x128xi32, #tpu.memory_space<vmem>> -> memref<1x128xi32, #tpu.memory_space<vmem>>
    %dma_wait3A_599 = tpu.memref_squeeze %dma_wait3A_598 : memref<1x128xi32, #tpu.memory_space<vmem>> -> memref<128xi32, #tpu.memory_space<vmem>>
    %dma_wait3A_600 = arith.constant 0 : i32
    %dma_wait3A_601 = arith.constant 0 : i32
    %dma_wait3A_602 = tpu.memref_slice %arg3[%dma_wait3A_600, %dma_wait3A_601] : memref<100000x128xf32, #tpu.memory_space<hbm>> -> memref<100000x128xf32, #tpu.memory_space<hbm>>
    tpu.wait_indirect_dma semaphore(%arg9 : memref<!tpu.dma_semaphore, #tpu.memory_space<semaphore_mem>>) src(%dma_wait3A_602 : memref<100000x128xf32, #tpu.memory_space<hbm>>) dst(%arg7 : memref<128x128xf32, #tpu.memory_space<vmem>>)
    %dma_wait3A_603 = arith.constant 36 : i32
    %dma_wait3A_604 = arith.constant 0 : i32
    %dma_wait3A_605 = tpu.memref_slice %arg5[%dma_wait3A_603, %dma_wait3A_604] : memref<50x128xi32, #tpu.memory_space<vmem>> -> memref<1x128xi32, #tpu.memory_space<vmem>>
    %dma_wait3A_606 = tpu.memref_squeeze %dma_wait3A_605 : memref<1x128xi32, #tpu.memory_space<vmem>> -> memref<128xi32, #tpu.memory_space<vmem>>
    %dma_wait3A_607 = arith.constant 0 : i32
    %dma_wait3A_608 = arith.constant 0 : i32
    %dma_wait3A_609 = tpu.memref_slice %arg3[%dma_wait3A_607, %dma_wait3A_608] : memref<100000x128xf32, #tpu.memory_space<hbm>> -> memref<100000x128xf32, #tpu.memory_space<hbm>>
    tpu.wait_indirect_dma semaphore(%arg8 : memref<!tpu.dma_semaphore, #tpu.memory_space<semaphore_mem>>) src(%dma_wait3A_609 : memref<100000x128xf32, #tpu.memory_space<hbm>>) dst(%arg6 : memref<128x128xf32, #tpu.memory_space<vmem>>)
    %dma_wait3A_610 = arith.constant 37 : i32
    %dma_wait3A_611 = arith.constant 0 : i32
    %dma_wait3A_612 = tpu.memref_slice %arg5[%dma_wait3A_610, %dma_wait3A_611] : memref<50x128xi32, #tpu.memory_space<vmem>> -> memref<1x128xi32, #tpu.memory_space<vmem>>
    %dma_wait3A_613 = tpu.memref_squeeze %dma_wait3A_612 : memref<1x128xi32, #tpu.memory_space<vmem>> -> memref<128xi32, #tpu.memory_space<vmem>>
    %dma_wait3A_614 = arith.constant 0 : i32
    %dma_wait3A_615 = arith.constant 0 : i32
    %dma_wait3A_616 = tpu.memref_slice %arg3[%dma_wait3A_614, %dma_wait3A_615] : memref<100000x128xf32, #tpu.memory_space<hbm>> -> memref<100000x128xf32, #tpu.memory_space<hbm>>
    tpu.wait_indirect_dma semaphore(%arg9 : memref<!tpu.dma_semaphore, #tpu.memory_space<semaphore_mem>>) src(%dma_wait3A_616 : memref<100000x128xf32, #tpu.memory_space<hbm>>) dst(%arg7 : memref<128x128xf32, #tpu.memory_space<vmem>>)
    %dma_wait3A_617 = arith.constant 38 : i32
    %dma_wait3A_618 = arith.constant 0 : i32
    %dma_wait3A_619 = tpu.memref_slice %arg5[%dma_wait3A_617, %dma_wait3A_618] : memref<50x128xi32, #tpu.memory_space<vmem>> -> memref<1x128xi32, #tpu.memory_space<vmem>>
    %dma_wait3A_620 = tpu.memref_squeeze %dma_wait3A_619 : memref<1x128xi32, #tpu.memory_space<vmem>> -> memref<128xi32, #tpu.memory_space<vmem>>
    %dma_wait3A_621 = arith.constant 0 : i32
    %dma_wait3A_622 = arith.constant 0 : i32
    %dma_wait3A_623 = tpu.memref_slice %arg3[%dma_wait3A_621, %dma_wait3A_622] : memref<100000x128xf32, #tpu.memory_space<hbm>> -> memref<100000x128xf32, #tpu.memory_space<hbm>>
    tpu.wait_indirect_dma semaphore(%arg8 : memref<!tpu.dma_semaphore, #tpu.memory_space<semaphore_mem>>) src(%dma_wait3A_623 : memref<100000x128xf32, #tpu.memory_space<hbm>>) dst(%arg6 : memref<128x128xf32, #tpu.memory_space<vmem>>)
    %dma_wait3A_624 = arith.constant 39 : i32
    %dma_wait3A_625 = arith.constant 0 : i32
    %dma_wait3A_626 = tpu.memref_slice %arg5[%dma_wait3A_624, %dma_wait3A_625] : memref<50x128xi32, #tpu.memory_space<vmem>> -> memref<1x128xi32, #tpu.memory_space<vmem>>
    %dma_wait3A_627 = tpu.memref_squeeze %dma_wait3A_626 : memref<1x128xi32, #tpu.memory_space<vmem>> -> memref<128xi32, #tpu.memory_space<vmem>>
    %dma_wait3A_628 = arith.constant 0 : i32
    %dma_wait3A_629 = arith.constant 0 : i32
    %dma_wait3A_630 = tpu.memref_slice %arg3[%dma_wait3A_628, %dma_wait3A_629] : memref<100000x128xf32, #tpu.memory_space<hbm>> -> memref<100000x128xf32, #tpu.memory_space<hbm>>
    tpu.wait_indirect_dma semaphore(%arg9 : memref<!tpu.dma_semaphore, #tpu.memory_space<semaphore_mem>>) src(%dma_wait3A_630 : memref<100000x128xf32, #tpu.memory_space<hbm>>) dst(%arg7 : memref<128x128xf32, #tpu.memory_space<vmem>>)
    %dma_wait3A_631 = arith.constant 40 : i32
    %dma_wait3A_632 = arith.constant 0 : i32
    %dma_wait3A_633 = tpu.memref_slice %arg5[%dma_wait3A_631, %dma_wait3A_632] : memref<50x128xi32, #tpu.memory_space<vmem>> -> memref<1x128xi32, #tpu.memory_space<vmem>>
    %dma_wait3A_634 = tpu.memref_squeeze %dma_wait3A_633 : memref<1x128xi32, #tpu.memory_space<vmem>> -> memref<128xi32, #tpu.memory_space<vmem>>
    %dma_wait3A_635 = arith.constant 0 : i32
    %dma_wait3A_636 = arith.constant 0 : i32
    %dma_wait3A_637 = tpu.memref_slice %arg3[%dma_wait3A_635, %dma_wait3A_636] : memref<100000x128xf32, #tpu.memory_space<hbm>> -> memref<100000x128xf32, #tpu.memory_space<hbm>>
    tpu.wait_indirect_dma semaphore(%arg8 : memref<!tpu.dma_semaphore, #tpu.memory_space<semaphore_mem>>) src(%dma_wait3A_637 : memref<100000x128xf32, #tpu.memory_space<hbm>>) dst(%arg6 : memref<128x128xf32, #tpu.memory_space<vmem>>)
    %dma_wait3A_638 = arith.constant 41 : i32
    %dma_wait3A_639 = arith.constant 0 : i32
    %dma_wait3A_640 = tpu.memref_slice %arg5[%dma_wait3A_638, %dma_wait3A_639] : memref<50x128xi32, #tpu.memory_space<vmem>> -> memref<1x128xi32, #tpu.memory_space<vmem>>
    %dma_wait3A_641 = tpu.memref_squeeze %dma_wait3A_640 : memref<1x128xi32, #tpu.memory_space<vmem>> -> memref<128xi32, #tpu.memory_space<vmem>>
    %dma_wait3A_642 = arith.constant 0 : i32
    %dma_wait3A_643 = arith.constant 0 : i32
    %dma_wait3A_644 = tpu.memref_slice %arg3[%dma_wait3A_642, %dma_wait3A_643] : memref<100000x128xf32, #tpu.memory_space<hbm>> -> memref<100000x128xf32, #tpu.memory_space<hbm>>
    tpu.wait_indirect_dma semaphore(%arg9 : memref<!tpu.dma_semaphore, #tpu.memory_space<semaphore_mem>>) src(%dma_wait3A_644 : memref<100000x128xf32, #tpu.memory_space<hbm>>) dst(%arg7 : memref<128x128xf32, #tpu.memory_space<vmem>>)
    %dma_wait3A_645 = arith.constant 42 : i32
    %dma_wait3A_646 = arith.constant 0 : i32
    %dma_wait3A_647 = tpu.memref_slice %arg5[%dma_wait3A_645, %dma_wait3A_646] : memref<50x128xi32, #tpu.memory_space<vmem>> -> memref<1x128xi32, #tpu.memory_space<vmem>>
    %dma_wait3A_648 = tpu.memref_squeeze %dma_wait3A_647 : memref<1x128xi32, #tpu.memory_space<vmem>> -> memref<128xi32, #tpu.memory_space<vmem>>
    %dma_wait3A_649 = arith.constant 0 : i32
    %dma_wait3A_650 = arith.constant 0 : i32
    %dma_wait3A_651 = tpu.memref_slice %arg3[%dma_wait3A_649, %dma_wait3A_650] : memref<100000x128xf32, #tpu.memory_space<hbm>> -> memref<100000x128xf32, #tpu.memory_space<hbm>>
    tpu.wait_indirect_dma semaphore(%arg8 : memref<!tpu.dma_semaphore, #tpu.memory_space<semaphore_mem>>) src(%dma_wait3A_651 : memref<100000x128xf32, #tpu.memory_space<hbm>>) dst(%arg6 : memref<128x128xf32, #tpu.memory_space<vmem>>)
    %dma_wait3A_652 = arith.constant 43 : i32
    %dma_wait3A_653 = arith.constant 0 : i32
    %dma_wait3A_654 = tpu.memref_slice %arg5[%dma_wait3A_652, %dma_wait3A_653] : memref<50x128xi32, #tpu.memory_space<vmem>> -> memref<1x128xi32, #tpu.memory_space<vmem>>
    %dma_wait3A_655 = tpu.memref_squeeze %dma_wait3A_654 : memref<1x128xi32, #tpu.memory_space<vmem>> -> memref<128xi32, #tpu.memory_space<vmem>>
    %dma_wait3A_656 = arith.constant 0 : i32
    %dma_wait3A_657 = arith.constant 0 : i32
    %dma_wait3A_658 = tpu.memref_slice %arg3[%dma_wait3A_656, %dma_wait3A_657] : memref<100000x128xf32, #tpu.memory_space<hbm>> -> memref<100000x128xf32, #tpu.memory_space<hbm>>
    tpu.wait_indirect_dma semaphore(%arg9 : memref<!tpu.dma_semaphore, #tpu.memory_space<semaphore_mem>>) src(%dma_wait3A_658 : memref<100000x128xf32, #tpu.memory_space<hbm>>) dst(%arg7 : memref<128x128xf32, #tpu.memory_space<vmem>>)
    %dma_wait3A_659 = arith.constant 44 : i32
    %dma_wait3A_660 = arith.constant 0 : i32
    %dma_wait3A_661 = tpu.memref_slice %arg5[%dma_wait3A_659, %dma_wait3A_660] : memref<50x128xi32, #tpu.memory_space<vmem>> -> memref<1x128xi32, #tpu.memory_space<vmem>>
    %dma_wait3A_662 = tpu.memref_squeeze %dma_wait3A_661 : memref<1x128xi32, #tpu.memory_space<vmem>> -> memref<128xi32, #tpu.memory_space<vmem>>
    %dma_wait3A_663 = arith.constant 0 : i32
    %dma_wait3A_664 = arith.constant 0 : i32
    %dma_wait3A_665 = tpu.memref_slice %arg3[%dma_wait3A_663, %dma_wait3A_664] : memref<100000x128xf32, #tpu.memory_space<hbm>> -> memref<100000x128xf32, #tpu.memory_space<hbm>>
    tpu.wait_indirect_dma semaphore(%arg8 : memref<!tpu.dma_semaphore, #tpu.memory_space<semaphore_mem>>) src(%dma_wait3A_665 : memref<100000x128xf32, #tpu.memory_space<hbm>>) dst(%arg6 : memref<128x128xf32, #tpu.memory_space<vmem>>)
    %dma_wait3A_666 = arith.constant 45 : i32
    %dma_wait3A_667 = arith.constant 0 : i32
    %dma_wait3A_668 = tpu.memref_slice %arg5[%dma_wait3A_666, %dma_wait3A_667] : memref<50x128xi32, #tpu.memory_space<vmem>> -> memref<1x128xi32, #tpu.memory_space<vmem>>
    %dma_wait3A_669 = tpu.memref_squeeze %dma_wait3A_668 : memref<1x128xi32, #tpu.memory_space<vmem>> -> memref<128xi32, #tpu.memory_space<vmem>>
    %dma_wait3A_670 = arith.constant 0 : i32
    %dma_wait3A_671 = arith.constant 0 : i32
    %dma_wait3A_672 = tpu.memref_slice %arg3[%dma_wait3A_670, %dma_wait3A_671] : memref<100000x128xf32, #tpu.memory_space<hbm>> -> memref<100000x128xf32, #tpu.memory_space<hbm>>
    tpu.wait_indirect_dma semaphore(%arg9 : memref<!tpu.dma_semaphore, #tpu.memory_space<semaphore_mem>>) src(%dma_wait3A_672 : memref<100000x128xf32, #tpu.memory_space<hbm>>) dst(%arg7 : memref<128x128xf32, #tpu.memory_space<vmem>>)
    %dma_wait3A_673 = arith.constant 46 : i32
    %dma_wait3A_674 = arith.constant 0 : i32
    %dma_wait3A_675 = tpu.memref_slice %arg5[%dma_wait3A_673, %dma_wait3A_674] : memref<50x128xi32, #tpu.memory_space<vmem>> -> memref<1x128xi32, #tpu.memory_space<vmem>>
    %dma_wait3A_676 = tpu.memref_squeeze %dma_wait3A_675 : memref<1x128xi32, #tpu.memory_space<vmem>> -> memref<128xi32, #tpu.memory_space<vmem>>
    %dma_wait3A_677 = arith.constant 0 : i32
    %dma_wait3A_678 = arith.constant 0 : i32
    %dma_wait3A_679 = tpu.memref_slice %arg3[%dma_wait3A_677, %dma_wait3A_678] : memref<100000x128xf32, #tpu.memory_space<hbm>> -> memref<100000x128xf32, #tpu.memory_space<hbm>>
    tpu.wait_indirect_dma semaphore(%arg8 : memref<!tpu.dma_semaphore, #tpu.memory_space<semaphore_mem>>) src(%dma_wait3A_679 : memref<100000x128xf32, #tpu.memory_space<hbm>>) dst(%arg6 : memref<128x128xf32, #tpu.memory_space<vmem>>)
    %dma_wait3A_680 = arith.constant 47 : i32
    %dma_wait3A_681 = arith.constant 0 : i32
    %dma_wait3A_682 = tpu.memref_slice %arg5[%dma_wait3A_680, %dma_wait3A_681] : memref<50x128xi32, #tpu.memory_space<vmem>> -> memref<1x128xi32, #tpu.memory_space<vmem>>
    %dma_wait3A_683 = tpu.memref_squeeze %dma_wait3A_682 : memref<1x128xi32, #tpu.memory_space<vmem>> -> memref<128xi32, #tpu.memory_space<vmem>>
    %dma_wait3A_684 = arith.constant 0 : i32
    %dma_wait3A_685 = arith.constant 0 : i32
    %dma_wait3A_686 = tpu.memref_slice %arg3[%dma_wait3A_684, %dma_wait3A_685] : memref<100000x128xf32, #tpu.memory_space<hbm>> -> memref<100000x128xf32, #tpu.memory_space<hbm>>
    tpu.wait_indirect_dma semaphore(%arg9 : memref<!tpu.dma_semaphore, #tpu.memory_space<semaphore_mem>>) src(%dma_wait3A_686 : memref<100000x128xf32, #tpu.memory_space<hbm>>) dst(%arg7 : memref<128x128xf32, #tpu.memory_space<vmem>>)
    %dma_wait3A_687 = arith.constant 48 : i32
    %dma_wait3A_688 = arith.constant 0 : i32
    %dma_wait3A_689 = tpu.memref_slice %arg5[%dma_wait3A_687, %dma_wait3A_688] : memref<50x128xi32, #tpu.memory_space<vmem>> -> memref<1x128xi32, #tpu.memory_space<vmem>>
    %dma_wait3A_690 = tpu.memref_squeeze %dma_wait3A_689 : memref<1x128xi32, #tpu.memory_space<vmem>> -> memref<128xi32, #tpu.memory_space<vmem>>
    %dma_wait3A_691 = arith.constant 0 : i32
    %dma_wait3A_692 = arith.constant 0 : i32
    %dma_wait3A_693 = tpu.memref_slice %arg3[%dma_wait3A_691, %dma_wait3A_692] : memref<100000x128xf32, #tpu.memory_space<hbm>> -> memref<100000x128xf32, #tpu.memory_space<hbm>>
    tpu.wait_indirect_dma semaphore(%arg8 : memref<!tpu.dma_semaphore, #tpu.memory_space<semaphore_mem>>) src(%dma_wait3A_693 : memref<100000x128xf32, #tpu.memory_space<hbm>>) dst(%arg6 : memref<128x128xf32, #tpu.memory_space<vmem>>)
    %dma_wait3A_694 = arith.constant 49 : i32
    %dma_wait3A_695 = arith.constant 0 : i32
    %dma_wait3A_696 = tpu.memref_slice %arg5[%dma_wait3A_694, %dma_wait3A_695] : memref<50x128xi32, #tpu.memory_space<vmem>> -> memref<1x128xi32, #tpu.memory_space<vmem>>
    %dma_wait3A_697 = tpu.memref_squeeze %dma_wait3A_696 : memref<1x128xi32, #tpu.memory_space<vmem>> -> memref<128xi32, #tpu.memory_space<vmem>>
    %dma_wait3A_698 = arith.constant 0 : i32
    %dma_wait3A_699 = arith.constant 0 : i32
    %dma_wait3A_700 = tpu.memref_slice %arg3[%dma_wait3A_698, %dma_wait3A_699] : memref<100000x128xf32, #tpu.memory_space<hbm>> -> memref<100000x128xf32, #tpu.memory_space<hbm>>
    tpu.wait_indirect_dma semaphore(%arg9 : memref<!tpu.dma_semaphore, #tpu.memory_space<semaphore_mem>>) src(%dma_wait3A_700 : memref<100000x128xf32, #tpu.memory_space<hbm>>) dst(%arg7 : memref<128x128xf32, #tpu.memory_space<vmem>>)
    %scan3A = arith.constant 0 : i32
    %scan3A_701 = arith.constant 0 : i32
    %scan3A_702 = arith.constant 128 : i32
    %scan3A_703 = arith.addi %scan3A_701, %scan3A_702 : i32
    %scan3A_704 = arith.constant 1 : i32
    scf.for %scan3A_706 = %scan3A_701 to %scan3A_703 step %scan3A_704  : i32 {
      %get3A = arith.index_cast %scan3A_706 : i32 to index
      %get3A_707 = arith.constant 0 : index
      %get3A_708 = tpu.vector_load %arg6[%get3A, %get3A_707] {strides = array<i32>} : memref<128x128xf32, #tpu.memory_space<vmem>>, vector<1x16xf32>,
      %get3A_709 = vector.shape_cast %get3A_708 : vector<1x16xf32> to vector<16xf32>
      %get3A_710 = arith.index_cast %scan3A_706 : i32 to index
      %get3A_711 = arith.constant 0 : index
      %get3A_712 = tpu.vector_load %arg7[%get3A_710, %get3A_711] {strides = array<i32>} : memref<128x128xf32, #tpu.memory_space<vmem>>, vector<1x16xf32>,
      %get3A_713 = vector.shape_cast %get3A_712 : vector<1x16xf32> to vector<16xf32>
      %add3A_714 = arith.addf %get3A_709, %get3A_713 : vector<16xf32>
      %swap3A = arith.index_cast %scan3A_706 : i32 to index
      %swap3A_715 = arith.constant 0 : index
      %swap3A_716 = tpu.vector_load %arg6[%swap3A, %swap3A_715] {strides = array<i32>} : memref<128x128xf32, #tpu.memory_space<vmem>>, vector<1x16xf32>,
      %swap3A_717 = vector.shape_cast %swap3A_716 : vector<1x16xf32> to vector<16xf32>
      %swap3A_718 = vector.shape_cast %add3A_714 : vector<16xf32> to vector<1x16xf32>
      tpu.vector_store %arg6[%swap3A, %swap3A_715], %swap3A_718 {strides = array<i32>} : memref<128x128xf32, #tpu.memory_space<vmem>>, vector<1x16xf32>,
      %get3A_719 = arith.index_cast %scan3A_706 : i32 to index
      %get3A_720 = arith.constant 16 : index
      %get3A_721 = tpu.vector_load %arg6[%get3A_719, %get3A_720] {strides = array<i32>} : memref<128x128xf32, #tpu.memory_space<vmem>>, vector<1x16xf32>,
      %get3A_722 = vector.shape_cast %get3A_721 : vector<1x16xf32> to vector<16xf32>
      %get3A_723 = arith.index_cast %scan3A_706 : i32 to index
      %get3A_724 = arith.constant 16 : index
      %get3A_725 = tpu.vector_load %arg7[%get3A_723, %get3A_724] {strides = array<i32>} : memref<128x128xf32, #tpu.memory_space<vmem>>, vector<1x16xf32>,
      %get3A_726 = vector.shape_cast %get3A_725 : vector<1x16xf32> to vector<16xf32>
      %add3A_727 = arith.addf %get3A_722, %get3A_726 : vector<16xf32>
      %swap3A_728 = arith.index_cast %scan3A_706 : i32 to index
      %swap3A_729 = arith.constant 16 : index
      %swap3A_730 = tpu.vector_load %arg6[%swap3A_728, %swap3A_729] {strides = array<i32>} : memref<128x128xf32, #tpu.memory_space<vmem>>, vector<1x16xf32>,
      %swap3A_731 = vector.shape_cast %swap3A_730 : vector<1x16xf32> to vector<16xf32>
      %swap3A_732 = vector.shape_cast %add3A_727 : vector<16xf32> to vector<1x16xf32>
      tpu.vector_store %arg6[%swap3A_728, %swap3A_729], %swap3A_732 {strides = array<i32>} : memref<128x128xf32, #tpu.memory_space<vmem>>, vector<1x16xf32>,
      %get3A_733 = arith.index_cast %scan3A_706 : i32 to index
      %get3A_734 = arith.constant 32 : index
      %get3A_735 = tpu.vector_load %arg6[%get3A_733, %get3A_734] {strides = array<i32>} : memref<128x128xf32, #tpu.memory_space<vmem>>, vector<1x16xf32>,
      %get3A_736 = vector.shape_cast %get3A_735 : vector<1x16xf32> to vector<16xf32>
      %get3A_737 = arith.index_cast %scan3A_706 : i32 to index
      %get3A_738 = arith.constant 32 : index
      %get3A_739 = tpu.vector_load %arg7[%get3A_737, %get3A_738] {strides = array<i32>} : memref<128x128xf32, #tpu.memory_space<vmem>>, vector<1x16xf32>,
      %get3A_740 = vector.shape_cast %get3A_739 : vector<1x16xf32> to vector<16xf32>
      %add3A_741 = arith.addf %get3A_736, %get3A_740 : vector<16xf32>
      %swap3A_742 = arith.index_cast %scan3A_706 : i32 to index
      %swap3A_743 = arith.constant 32 : index
      %swap3A_744 = tpu.vector_load %arg6[%swap3A_742, %swap3A_743] {strides = array<i32>} : memref<128x128xf32, #tpu.memory_space<vmem>>, vector<1x16xf32>,
      %swap3A_745 = vector.shape_cast %swap3A_744 : vector<1x16xf32> to vector<16xf32>
      %swap3A_746 = vector.shape_cast %add3A_741 : vector<16xf32> to vector<1x16xf32>
      tpu.vector_store %arg6[%swap3A_742, %swap3A_743], %swap3A_746 {strides = array<i32>} : memref<128x128xf32, #tpu.memory_space<vmem>>, vector<1x16xf32>,
      %get3A_747 = arith.index_cast %scan3A_706 : i32 to index
      %get3A_748 = arith.constant 48 : index
      %get3A_749 = tpu.vector_load %arg6[%get3A_747, %get3A_748] {strides = array<i32>} : memref<128x128xf32, #tpu.memory_space<vmem>>, vector<1x16xf32>,
      %get3A_750 = vector.shape_cast %get3A_749 : vector<1x16xf32> to vector<16xf32>
      %get3A_751 = arith.index_cast %scan3A_706 : i32 to index
      %get3A_752 = arith.constant 48 : index
      %get3A_753 = tpu.vector_load %arg7[%get3A_751, %get3A_752] {strides = array<i32>} : memref<128x128xf32, #tpu.memory_space<vmem>>, vector<1x16xf32>,
      %get3A_754 = vector.shape_cast %get3A_753 : vector<1x16xf32> to vector<16xf32>
      %add3A_755 = arith.addf %get3A_750, %get3A_754 : vector<16xf32>
      %swap3A_756 = arith.index_cast %scan3A_706 : i32 to index
      %swap3A_757 = arith.constant 48 : index
      %swap3A_758 = tpu.vector_load %arg6[%swap3A_756, %swap3A_757] {strides = array<i32>} : memref<128x128xf32, #tpu.memory_space<vmem>>, vector<1x16xf32>,
      %swap3A_759 = vector.shape_cast %swap3A_758 : vector<1x16xf32> to vector<16xf32>
      %swap3A_760 = vector.shape_cast %add3A_755 : vector<16xf32> to vector<1x16xf32>
      tpu.vector_store %arg6[%swap3A_756, %swap3A_757], %swap3A_760 {strides = array<i32>} : memref<128x128xf32, #tpu.memory_space<vmem>>, vector<1x16xf32>,
      %get3A_761 = arith.index_cast %scan3A_706 : i32 to index
      %get3A_762 = arith.constant 64 : index
      %get3A_763 = tpu.vector_load %arg6[%get3A_761, %get3A_762] {strides = array<i32>} : memref<128x128xf32, #tpu.memory_space<vmem>>, vector<1x16xf32>,
      %get3A_764 = vector.shape_cast %get3A_763 : vector<1x16xf32> to vector<16xf32>
      %get3A_765 = arith.index_cast %scan3A_706 : i32 to index
      %get3A_766 = arith.constant 64 : index
      %get3A_767 = tpu.vector_load %arg7[%get3A_765, %get3A_766] {strides = array<i32>} : memref<128x128xf32, #tpu.memory_space<vmem>>, vector<1x16xf32>,
      %get3A_768 = vector.shape_cast %get3A_767 : vector<1x16xf32> to vector<16xf32>
      %add3A_769 = arith.addf %get3A_764, %get3A_768 : vector<16xf32>
      %swap3A_770 = arith.index_cast %scan3A_706 : i32 to index
      %swap3A_771 = arith.constant 64 : index
      %swap3A_772 = tpu.vector_load %arg6[%swap3A_770, %swap3A_771] {strides = array<i32>} : memref<128x128xf32, #tpu.memory_space<vmem>>, vector<1x16xf32>,
      %swap3A_773 = vector.shape_cast %swap3A_772 : vector<1x16xf32> to vector<16xf32>
      %swap3A_774 = vector.shape_cast %add3A_769 : vector<16xf32> to vector<1x16xf32>
      tpu.vector_store %arg6[%swap3A_770, %swap3A_771], %swap3A_774 {strides = array<i32>} : memref<128x128xf32, #tpu.memory_space<vmem>>, vector<1x16xf32>,
      %get3A_775 = arith.index_cast %scan3A_706 : i32 to index
      %get3A_776 = arith.constant 80 : index
      %get3A_777 = tpu.vector_load %arg6[%get3A_775, %get3A_776] {strides = array<i32>} : memref<128x128xf32, #tpu.memory_space<vmem>>, vector<1x16xf32>,
      %get3A_778 = vector.shape_cast %get3A_777 : vector<1x16xf32> to vector<16xf32>
      %get3A_779 = arith.index_cast %scan3A_706 : i32 to index
      %get3A_780 = arith.constant 80 : index
      %get3A_781 = tpu.vector_load %arg7[%get3A_779, %get3A_780] {strides = array<i32>} : memref<128x128xf32, #tpu.memory_space<vmem>>, vector<1x16xf32>,
      %get3A_782 = vector.shape_cast %get3A_781 : vector<1x16xf32> to vector<16xf32>
      %add3A_783 = arith.addf %get3A_778, %get3A_782 : vector<16xf32>
      %swap3A_784 = arith.index_cast %scan3A_706 : i32 to index
      %swap3A_785 = arith.constant 80 : index
      %swap3A_786 = tpu.vector_load %arg6[%swap3A_784, %swap3A_785] {strides = array<i32>} : memref<128x128xf32, #tpu.memory_space<vmem>>, vector<1x16xf32>,
      %swap3A_787 = vector.shape_cast %swap3A_786 : vector<1x16xf32> to vector<16xf32>
      %swap3A_788 = vector.shape_cast %add3A_783 : vector<16xf32> to vector<1x16xf32>
      tpu.vector_store %arg6[%swap3A_784, %swap3A_785], %swap3A_788 {strides = array<i32>} : memref<128x128xf32, #tpu.memory_space<vmem>>, vector<1x16xf32>,
      %get3A_789 = arith.index_cast %scan3A_706 : i32 to index
      %get3A_790 = arith.constant 96 : index
      %get3A_791 = tpu.vector_load %arg6[%get3A_789, %get3A_790] {strides = array<i32>} : memref<128x128xf32, #tpu.memory_space<vmem>>, vector<1x16xf32>,
      %get3A_792 = vector.shape_cast %get3A_791 : vector<1x16xf32> to vector<16xf32>
      %get3A_793 = arith.index_cast %scan3A_706 : i32 to index
      %get3A_794 = arith.constant 96 : index
      %get3A_795 = tpu.vector_load %arg7[%get3A_793, %get3A_794] {strides = array<i32>} : memref<128x128xf32, #tpu.memory_space<vmem>>, vector<1x16xf32>,
      %get3A_796 = vector.shape_cast %get3A_795 : vector<1x16xf32> to vector<16xf32>
      %add3A_797 = arith.addf %get3A_792, %get3A_796 : vector<16xf32>
      %swap3A_798 = arith.index_cast %scan3A_706 : i32 to index
      %swap3A_799 = arith.constant 96 : index
      %swap3A_800 = tpu.vector_load %arg6[%swap3A_798, %swap3A_799] {strides = array<i32>} : memref<128x128xf32, #tpu.memory_space<vmem>>, vector<1x16xf32>,
      %swap3A_801 = vector.shape_cast %swap3A_800 : vector<1x16xf32> to vector<16xf32>
      %swap3A_802 = vector.shape_cast %add3A_797 : vector<16xf32> to vector<1x16xf32>
      tpu.vector_store %arg6[%swap3A_798, %swap3A_799], %swap3A_802 {strides = array<i32>} : memref<128x128xf32, #tpu.memory_space<vmem>>, vector<1x16xf32>,
      %get3A_803 = arith.index_cast %scan3A_706 : i32 to index
      %get3A_804 = arith.constant 112 : index
      %get3A_805 = tpu.vector_load %arg6[%get3A_803, %get3A_804] {strides = array<i32>} : memref<128x128xf32, #tpu.memory_space<vmem>>, vector<1x16xf32>,
      %get3A_806 = vector.shape_cast %get3A_805 : vector<1x16xf32> to vector<16xf32>
      %get3A_807 = arith.index_cast %scan3A_706 : i32 to index
      %get3A_808 = arith.constant 112 : index
      %get3A_809 = tpu.vector_load %arg7[%get3A_807, %get3A_808] {strides = array<i32>} : memref<128x128xf32, #tpu.memory_space<vmem>>, vector<1x16xf32>,
      %get3A_810 = vector.shape_cast %get3A_809 : vector<1x16xf32> to vector<16xf32>
      %add3A_811 = arith.addf %get3A_806, %get3A_810 : vector<16xf32>
      %swap3A_812 = arith.index_cast %scan3A_706 : i32 to index
      %swap3A_813 = arith.constant 112 : index
      %swap3A_814 = tpu.vector_load %arg6[%swap3A_812, %swap3A_813] {strides = array<i32>} : memref<128x128xf32, #tpu.memory_space<vmem>>, vector<1x16xf32>,
      %swap3A_815 = vector.shape_cast %swap3A_814 : vector<1x16xf32> to vector<16xf32>
      %swap3A_816 = vector.shape_cast %add3A_811 : vector<16xf32> to vector<1x16xf32>
      tpu.vector_store %arg6[%swap3A_812, %swap3A_813], %swap3A_816 {strides = array<i32>} : memref<128x128xf32, #tpu.memory_space<vmem>>, vector<1x16xf32>,
    }
    %scan3A_705 = arith.constant 128 : i32
    "tpu.region"() ({
      %run_scoped3A = tpu.sem_alloc : memref<!tpu.dma_semaphore, #tpu.memory_space<semaphore_mem>>
      %dma_start3A_706 = arith.constant 0 : i32
      %dma_start3A_707 = tpu.memref_slice %arg4[%mul3A_2, %dma_start3A_706] : memref<4096x128xf32, #tpu.memory_space<hbm>> -> memref<128x128xf32, #tpu.memory_space<hbm>>
      %dma_start3A_708 = arith.constant 0 : i32
      %dma_start3A_709 = tpu.memref_slice %arg4[%mul3A_2, %dma_start3A_708] : memref<4096x128xf32, #tpu.memory_space<hbm>> -> memref<128x128xf32, #tpu.memory_space<hbm>>
      tpu.enqueue_dma source(%arg6 : memref<128x128xf32, #tpu.memory_space<vmem>>) target(%dma_start3A_709 : memref<128x128xf32, #tpu.memory_space<hbm>>) target_semaphore(%run_scoped3A : memref<!tpu.dma_semaphore, #tpu.memory_space<semaphore_mem>>)
      %dma_wait3A_710 = arith.constant 0 : i32
      %dma_wait3A_711 = tpu.memref_slice %arg4[%mul3A_2, %dma_wait3A_710] : memref<4096x128xf32, #tpu.memory_space<hbm>> -> memref<128x128xf32, #tpu.memory_space<hbm>>
      %dma_wait3A_712 = arith.constant 0 : i32
      %dma_wait3A_713 = tpu.memref_slice %arg4[%mul3A_2, %dma_wait3A_712] : memref<4096x128xf32, #tpu.memory_space<hbm>> -> memref<128x128xf32, #tpu.memory_space<hbm>>
      tpu.wait_dma2 semaphore(%run_scoped3A : memref<!tpu.dma_semaphore, #tpu.memory_space<semaphore_mem>>) src(%arg6 : memref<128x128xf32, #tpu.memory_space<vmem>>) dst(%dma_wait3A_713 : memref<128x128xf32, #tpu.memory_space<hbm>>)
      tpu.yield
    }) : () -> ()
    return
  }
}

module attributes {stable_mosaic.version = 14 : i64} {
  func.func @body(%arg0: i32, %arg1: memref<2048x128xf32, #tpu.memory_space<vmem>>, %arg2: memref<2048x50xi32, #tpu.memory_space<vmem>>, %arg3: memref<128x128xf32, #tpu.memory_space<vmem>>, %arg4: memref<1x128xf32, #tpu.memory_space<vmem>>, %arg5: memref<128x100xf32, #tpu.memory_space<vmem>>, %arg6: memref<1x100xf32, #tpu.memory_space<vmem>>, %arg7: memref<2048x100xf32, #tpu.memory_space<vmem>>) attributes {dimension_semantics = [#tpu.dimension_semantics<arbitrary>], iteration_bounds = array<i64: 2>, scalar_prefetch = 0 : i64, scratch_operands = 0 : i64, tpu.core_type = #tpu.core_type<tc>, window_params = [{transform_indices = @transform_0, window_bounds = array<i64: 2048, 128>}, {transform_indices = @transform_1, window_bounds = array<i64: 2048, 50>}, {pipeline_mode = #tpu.pipeline_mode<synchronous>, transform_indices = @transform_2, window_bounds = array<i64: 128, 128>}, {pipeline_mode = #tpu.pipeline_mode<synchronous>, transform_indices = @transform_3, window_bounds = array<i64: 1, 128>}, {pipeline_mode = #tpu.pipeline_mode<synchronous>, transform_indices = @transform_4, window_bounds = array<i64: 128, 100>}, {pipeline_mode = #tpu.pipeline_mode<synchronous>, transform_indices = @transform_5, window_bounds = array<i64: 1, 100>}, {transform_indices = @transform_6, window_bounds = array<i64: 2048, 100>}]} {
    %get3A = arith.constant 0 : index
    %get3A_0 = arith.constant 0 : index
    %get3A_1 = vector.load %arg1[%get3A, %get3A_0] : memref<2048x128xf32, #tpu.memory_space<vmem>>, vector<2048x128xf32>
    %get3A_2 = arith.constant 0 : index
    %get3A_3 = arith.constant 0 : index
    %get3A_4 = vector.load %arg2[%get3A_2, %get3A_3] : memref<2048x50xi32, #tpu.memory_space<vmem>>, vector<2048x50xi32>
    %ne3A = arith.constant 0 : i32
    %ne3A_5 = vector.broadcast %ne3A : i32 to vector<2048x50xi32>
    %ne3A_6 = arith.cmpi ne, %get3A_4, %ne3A_5 : vector<2048x50xi32>
    %convert_element_type3A = arith.extui %ne3A_6 : vector<2048x50xi1> to vector<2048x50xi32>
    %convert_element_type3A_7 = arith.sitofp %convert_element_type3A : vector<2048x50xi32> to vector<2048x50xf32>
    %reduce_sum3A = arith.constant dense<0.000000e+00> : vector<2048xf32>
    %reduce_sum3A_8 = vector.multi_reduction <add>, %convert_element_type3A_7, %reduce_sum3A [1] : vector<2048x50xf32> to vector<2048xf32>
    %broadcast_in_dim3A = vector.shape_cast %reduce_sum3A_8 : vector<2048xf32> to vector<2048x1xf32>
    %max3A = arith.constant 9.99999997E-7 : f32
    %max3A_9 = vector.broadcast %max3A : f32 to vector<2048x1xf32>
    %max3A_10 = arith.maximumf %broadcast_in_dim3A, %max3A_9 : vector<2048x1xf32>
    %div3A = arith.constant 1.000000e+00 : f32
    %div3A_11 = vector.broadcast %div3A : f32 to vector<2048x1xf32>
    %div3A_12 = arith.divf %div3A_11, %max3A_10 : vector<2048x1xf32>
    %mul3A = vector.broadcast %div3A_12 : vector<2048x1xf32> to vector<2048x128xf32>
    %mul3A_13 = arith.mulf %get3A_1, %mul3A : vector<2048x128xf32>
    %get3A_14 = arith.constant 0 : index
    %get3A_15 = arith.constant 0 : index
    %get3A_16 = vector.load %arg3[%get3A_14, %get3A_15] : memref<128x128xf32, #tpu.memory_space<vmem>>, vector<128x128xf32>
    %dot_general3A = arith.constant dense<0.000000e+00> : vector<2048x128xf32>
    %dot_general3A_17 = tpu.matmul %mul3A_13, %get3A_16, %dot_general3A {dimension_numbers = #tpu.dot_dimension_numbers<[1], [0], [0], [1], [0, 0, 1, 1], [], []>, transpose_lhs_hint = false} : vector<2048x128xf32>, vector<128x128xf32>, vector<2048x128xf32> -> vector<2048x128xf32>
    %get3A_18 = arith.constant 0 : index
    %get3A_19 = arith.constant 0 : index
    %get3A_20 = vector.load %arg4[%get3A_18, %get3A_19] : memref<1x128xf32, #tpu.memory_space<vmem>>, vector<1x128xf32>
    %add3A = vector.broadcast %get3A_20 : vector<1x128xf32> to vector<2048x128xf32>
    %add3A_21 = arith.addf %dot_general3A_17, %add3A : vector<2048x128xf32>
    %max3A_22 = arith.constant 0.000000e+00 : f32
    %max3A_23 = vector.broadcast %max3A_22 : f32 to vector<2048x128xf32>
    %max3A_24 = arith.maximumf %add3A_21, %max3A_23 : vector<2048x128xf32>
    %get3A_25 = arith.constant 0 : index
    %get3A_26 = arith.constant 0 : index
    %get3A_27 = vector.load %arg5[%get3A_25, %get3A_26] : memref<128x100xf32, #tpu.memory_space<vmem>>, vector<128x100xf32>
    %dot_general3A_28 = arith.constant dense<0.000000e+00> : vector<2048x100xf32>
    %dot_general3A_29 = tpu.matmul %max3A_24, %get3A_27, %dot_general3A_28 {dimension_numbers = #tpu.dot_dimension_numbers<[1], [0], [0], [1], [0, 0, 1, 1], [], []>, transpose_lhs_hint = false} : vector<2048x128xf32>, vector<128x100xf32>, vector<2048x100xf32> -> vector<2048x100xf32>
    %get3A_30 = arith.constant 0 : index
    %get3A_31 = arith.constant 0 : index
    %get3A_32 = vector.load %arg6[%get3A_30, %get3A_31] : memref<1x100xf32, #tpu.memory_space<vmem>>, vector<1x100xf32>
    %add3A_33 = vector.broadcast %get3A_32 : vector<1x100xf32> to vector<2048x100xf32>
    %add3A_34 = arith.addf %dot_general3A_29, %add3A_33 : vector<2048x100xf32>
    %swap3A = arith.constant 0 : index
    %swap3A_35 = arith.constant 0 : index
    %swap3A_36 = vector.load %arg7[%swap3A, %swap3A_35] : memref<2048x100xf32, #tpu.memory_space<vmem>>, vector<2048x100xf32>
    tpu.vector_store %arg7[%swap3A, %swap3A_35], %add3A_34 {strides = array<i32>} : memref<2048x100xf32, #tpu.memory_space<vmem>>, vector<2048x100xf32>,
    return
  }
  func.func @transform_0(%arg0: i32) -> (i32, i32) {
    %c0_i32 = arith.constant 0 : i32
    %c0_i32_0 = arith.constant 0 : i32
    return %arg0, %c0_i32 : i32, i32
  }
  func.func @transform_1(%arg0: i32) -> (i32, i32) {
    %c0_i32 = arith.constant 0 : i32
    %c0_i32_0 = arith.constant 0 : i32
    return %arg0, %c0_i32 : i32, i32
  }
  func.func @transform_2(%arg0: i32) -> (i32, i32) {
    %c0_i32 = arith.constant 0 : i32
    %c0_i32_0 = arith.constant 0 : i32
    %c0_i32_1 = arith.constant 0 : i32
    return %c0_i32, %c0_i32_0 : i32, i32
  }
  func.func @transform_3(%arg0: i32) -> (i32, i32) {
    %c0_i32 = arith.constant 0 : i32
    %c0_i32_0 = arith.constant 0 : i32
    %c0_i32_1 = arith.constant 0 : i32
    return %c0_i32, %c0_i32_0 : i32, i32
  }
  func.func @transform_4(%arg0: i32) -> (i32, i32) {
    %c0_i32 = arith.constant 0 : i32
    %c0_i32_0 = arith.constant 0 : i32
    %c0_i32_1 = arith.constant 0 : i32
    return %c0_i32, %c0_i32_0 : i32, i32
  }
  func.func @transform_5(%arg0: i32) -> (i32, i32) {
    %c0_i32 = arith.constant 0 : i32
    %c0_i32_0 = arith.constant 0 : i32
    %c0_i32_1 = arith.constant 0 : i32
    return %c0_i32, %c0_i32_0 : i32, i32
  }
  func.func @transform_6(%arg0: i32) -> (i32, i32) {
    %c0_i32 = arith.constant 0 : i32
    %c0_i32_0 = arith.constant 0 : i32
    return %arg0, %c0_i32 : i32, i32
  }
}

</mosaic_0001>

<sc_bundles>
// kernel: kernel.4.cloned.1.call-start
scs
__scs_entry_jumppad:
0x0: {  	(pc) =	sbr.rel $0x88, $3  }
0x1: {  	(tag) =	ssettag $0x0;
	lr =	simm.s32 $0x1  }
0x2: {  	[smem:$0x3F9B] =	sst lr;
	_ =	strace $0xD0000000  }
0x3: {  	_ = 	snop  }
0x4: {  	_ = 	snop  }
0x5: {  	_ = 	snop  }
0x6: {  	_ = 	snop  }
0x7: {  	_ = 	snop  }
__scs_overlays_trampoline_lowered:
0x8: {  	[smem:$0x3FAA] =	sst s0  }
0x9: {  	[smem:$0x3FAB] =	sst s1  }
0xa: {  	[smem:$0x3FAC] =	sst s2  }
0xb: {  	[smem:$0x3FAD] =	sst s3  }
0xc: {  	[smem:$0x3FAE] =	sst s4  }
0xd: {  	[smem:$0x3FAF] =	sst s5  }
0xe: {  	[smem:$0x3FB0] =	sst s6  }
0xf: {  	[smem:$0x3FB1] =	sst s7  }
0x10: {  	[smem:$0x3FB2] =	sst s8  }
0x11: {  	[smem:$0x3FB3] =	sst s9;
	s0 =	simm.s32 @!p0 $0x0  }
0x12: {  	s1 =	sld [smem:$0x3F99];
	s0 =	simm.s32 @p0 $0x1  }
0x13: {  	[smem:$0x3FB4] =	sst s0;
	s0 =	simm.s32 @!p1 $0x0  }
0x14: {  	s2 =	sld [smem:$0x3F98];
	s0 =	simm.s32 @p1 $0x1  }
0x15: {  	[smem:$0x3FB5] =	sst s0;
	s0 =	simm.s32 @!p2 $0x0  }
0x16: {  	s3 =	sld [smem:$0x3FDB];
	s0 =	simm.s32 @p2 $0x1  }
0x17: {  	s4 =	simm.s32 $0x1BF5;
	[smem:$0x3FB7] =	sst s0  }
0x18: {  	s0 =	sld [smem:$0x3F9A];
	_ =	swait.ge [sflag:s4], $0x0  }
0x19: {  	s7 =	sld [smem:$0x3F9B]  }
0x1a: {  	s8 =	sadd.s32 $0xFFFFE003, lr  }
0x1b: {  	s9 =	sadd.s32 $0xFFFFFEF7, lr;
	s5 =	simm.s32 $0xFFFFFFFF;
	p2 =	slt.u32 s8, $0xFFFFF086  }
0x1c: {  	p1 =	slt.u32 s9, $0xF7A;
	s5 =	simm.s32 @!p2 $0x0  }
0x1d: {  	s5 =	simm.s32 @p1 $0x1;
	p0 =	seq.s32 s7, s2  }
0x1e: {  	s7 =	smul.u32 @!p0 $0xF7A, s2;
	p2 =	seq.s32 @!p0 s5, $0x0  }
0x1f: {  	s9 =	smul.u32 $0xF7A, s1;
	s8 =	simm.s32 @!p0 $0x1BF5;
	p2 =	por !p2, p0  }
0x20: {  	[sflag:s8] =	ssyncset.s32 @!p0 $0xFFFFF086;
	s6 =	sadd.s32 @!p0 s3, s7;
	s7 =	simm.s32 @!p0 $0x108  }
0x21: {  	s3 =	sadd.s32 s3, s9;
	s6 =	sadd.s32 @!p0 $0x88, s6;
	s7 =	simm.s32 @p2 $0x1082  }
0x22: {  	[simem:s7], [sflag:s8] =	dma.local @!p0 [hbm:s6], $0xF7A  }
0x23: {  	s9 =	sor.u32 $0xD0000000, s2;
	s6 =	simm.s32 $0x108;
	_ =	swait.ge @!p0 [sflag:s8], $0x0  }
0x24: {  	s3 =	sadd.s32 $0x88, s3;
	s6 =	simm.s32 @!p1 $0x1082;
	[sflag:s4] =	ssyncset.s32 $0xFFFFF086  }
0x25: {  	[simem:s6], [sflag:s4] =	dma.local [hbm:s3], $0xF7A  }
0x26: {  	[smem:$0x3F9B] =	sst s1;
	(tag) =	ssettag s2;
	_ =	strace s9  }
0x27: {  	s1 =	sld [smem:$0x3FAB]  }
0x28: {  	s2 =	sld [smem:$0x3FAC]  }
0x29: {  	s4 =	sld [smem:$0x3FAE]  }
0x2a: {  	p0 =	seq.s32 s5, $0x0;
	s5 =	sld [smem:$0x3FAF]  }
0x2b: {  	s6 =	sld [smem:$0x3FB0]  }
0x2c: {  	s7 =	sld [smem:$0x3FB1]  }
0x2d: {  	s3 =	simm.s32 $0x108;
	s8 =	sld [smem:$0x3FB2]  }
0x2e: {  	s3 =	simm.s32 @!p0 $0x1082;
	s9 =	sld [smem:$0x3FB3]  }
0x2f: {  	lr =	sadd.s32 s0, s3;
	s0 =	sld [smem:$0x3FAA]  }
0x30: {  	s3 =	sld [smem:$0x3FAD]  }
0x31: {  	[smem:$0x3FB6] =	sst s10  }
0x32: {  	s10 =	sld [smem:$0x3FB4];
	_ =	sdelay $0x3  }
0x33: {  	p0 =	seq.s32 s10, $0x1;
	s10 =	sld [smem:$0x3FB6];
	_ =	sdelay $0x3  }
0x34: {  	[smem:$0x3FB6] =	sst s10  }
0x35: {  	s10 =	sld [smem:$0x3FB5];
	_ =	sdelay $0x3  }
0x36: {  	p1 =	seq.s32 s10, $0x1;
	s10 =	sld [smem:$0x3FB6];
	_ =	sdelay $0x3  }
0x37: {  	[smem:$0x3FB6] =	sst s10  }
0x38: {  	s10 =	sld [smem:$0x3FB7]  }
0x39: {  	_ = 	snop;
	(pc) =	sbr.ind lr, $3  }
0x3a: {  	_ = 	snop  }
0x3b: {  	_ = 	snop  }
0x3c: {  	p2 =	seq.s32 s10, $0x1;
	s10 =	sld [smem:$0x3FB6]  }
0x3d: {  	_ =	shalt  }
0x3e: {  	_ =	shalt  }
0x3f: {  	_ =	shalt  }
0x40: {  	_ =	shalt  }
0x41: {  	_ =	shalt  }
0x42: {  	_ =	shalt  }
0x43: {  	_ =	shalt  }
0x44: {  	_ =	shalt  }
0x45: {  	_ =	shalt  }
0x46: {  	_ =	shalt  }
0x47: {  	_ =	shalt  }
0x48: {  	_ =	shalt  }
0x49: {  	_ =	shalt  }
0x4a: {  	_ =	shalt  }
0x4b: {  	_ =	shalt  }
0x4c: {  	_ =	shalt  }
0x4d: {  	_ =	shalt  }
0x4e: {  	_ =	shalt  }
0x4f: {  	_ =	shalt  }
0x50: {  	_ =	shalt  }
0x51: {  	_ =	shalt  }
0x52: {  	_ =	shalt  }
0x53: {  	_ =	shalt  }
0x54: {  	_ =	shalt  }
0x55: {  	_ =	shalt  }
0x56: {  	_ =	shalt  }
0x57: {  	_ =	shalt  }
0x58: {  	_ =	shalt  }
0x59: {  	_ =	shalt  }
0x5a: {  	_ =	shalt  }
0x5b: {  	_ =	shalt  }
0x5c: {  	_ =	shalt  }
0x5d: {  	_ =	shalt  }
0x5e: {  	_ =	shalt  }
0x5f: {  	_ =	shalt  }
0x60: {  	_ =	shalt  }
0x61: {  	_ =	shalt  }
0x62: {  	_ =	shalt  }
0x63: {  	_ =	shalt  }
0x64: {  	_ =	shalt  }
0x65: {  	_ =	shalt  }
0x66: {  	_ =	shalt  }
0x67: {  	_ =	shalt  }
0x68: {  	_ =	shalt  }
0x69: {  	_ =	shalt  }
0x6a: {  	_ =	shalt  }
0x6b: {  	_ =	shalt  }
0x6c: {  	_ =	shalt  }
0x6d: {  	_ =	shalt  }
0x6e: {  	_ =	shalt  }
0x6f: {  	_ =	shalt  }
0x70: {  	_ =	shalt  }
0x71: {  	_ =	shalt  }
0x72: {  	_ =	shalt  }
0x73: {  	_ =	shalt  }
0x74: {  	_ =	shalt  }
0x75: {  	_ =	shalt  }
0x76: {  	_ =	shalt  }
0x77: {  	_ =	shalt  }
0x78: {  	_ =	shalt  }
0x79: {  	_ =	shalt  }
0x7a: {  	_ =	shalt  }
0x7b: {  	_ =	shalt  }
0x7c: {  	_ =	shalt  }
0x7d: {  	_ =	shalt  }
0x7e: {  	_ =	shalt  }
0x7f: {  	_ =	shalt  }
0x80: {  	_ =	shalt  }
0x81: {  	_ =	shalt  }
0x82: {  	_ =	shalt  }
0x83: {  	_ =	shalt  }
0x84: {  	_ =	shalt  }
0x85: {  	_ =	shalt  }
0x86: {  	_ =	shalt  }
0x87: {  	_ =	shalt  }
.Lfunc_end0:
.L_simem_size_0:
called_computation_lowered:
.L_overlay_start_0:
0x88: {  	s2 =	sld [smem:$0x3FD9]  }
0x89: {  	s3 =	sld [smem:$0x3FFE];
	_ =	sdelay $0x1  }
0x8a: {  	s1 =	srdreg.scid  }
0x8b: {  	s0 =	sand.u32 $0x1, s1  }
0x8c: {  	s17 =	sshll.u32 s0, $0xA;
	s2 =	sadd.s32 s3, s2  }
0x8d: {  	s2 =	sadd.s32 s2, s17  }
0x8e: {  	[smem:$0x3FC2] =	sst s2  }
0x8f: {  	_ = 	snop  }
0x90: {  	s2 =	sld [smem:$0x3FC9]  }
0x91: {  	s18 =	sld [smem:$0x3FC8];
	(tm) =	ssettm $0x1  }
0x92: {  	s4 =	sld [smem:$0x3FFB];
	_ =	sdelay $0x3  }
0x93: {  	_ =	strace s4  }
0x94: {  	s4 =	sld [smem:$0x3FFC];
	_ =	sdelay $0x3  }
0x95: {  	_ =	strace s4  }
0x96: {  	s4 =	sld [smem:$0x3FFD];
	_ =	sdelay $0x3  }
0x97: {  	_ =	strace s4  }
0x98: {  	_ =	strace $0x8FFFFFFF  }
0x99: {  	s19 =	sld [smem:$0x3FDB];
	_ =	sdelay $0x1  }
0x9a: {  	s5 =	simm.s32 $_scs_section_size  }
0x9b: {  	s6 =	simm.s32 $_size__tile_overlayer_lowered;
	s7 =	simm.s32 $_tile_overlayer_lowered  }
0x9c: {  	s22 =	simm.s32 $0x1BFF;
	s21 =	sshll.u32 s7, $0x1;
	s4 =	sadd.s32 s5, s19  }
0x9d: {  	s8 =	simm.s32 $0x0;
	s20 =	sshll.u32 s6, $0x1;
	s6 =	sadd.s32 s21, s4  }
0x9e: {  	[timem:s8], [sflag:s22] =	dma.local [hbm:s6], s20  }
0x9f: {  	_ =	swait.ge [sflag:s22], s20  }
0xa0: {  	s5 =	ssub.s32 $0x0, s20;
	[sflag:s22] =	ssyncset.done $0x0  }
0xa1: {  	[sflag:s22] =	ssyncadd.s32 s5;
	_ =	sdelay $0x1  }
0xa2: {  	s23 =	simm.s32 $0x1B8B  }
0xa3: {  	_ =	swait.ge [sflag:s23], $0x1  }
0xa4: {  	[sflag:s23] =	ssyncset.done $0x0  }
0xa5: {  	s25 =	simm.s32 $0x1B8E;
	s24 =	sld [smem:$0x3FFE];
	[sflag:s23] =	ssyncadd.s32 $0xFFFFFFFF  }
0xa6: {  	s26 =	simm.s32 $execute0_lowered;
	[smem:$0x3FD2] =	sst s25  }
0xa7: {  	s6 =	sshll.u32 s26, $0x1;
	_ =	strace $0x80000046;
	[dreg:$0x1] =	wrdreg $0xFFFFFFFF  }
0xa8: {  	s28 =	simm.s32 $_size_execute0_lowered;
	s4 =	sadd.s32 s4, s6;
	[dreg:$0x0] =	wrdreg $0x0  }
0xa9: {  	s6 =	sshll.u32 s28, $0x1;
	[dreg:$0x2] =	wrdreg s4  }
0xaa: {  	[dreg:$0x3] =	wrdreg s6  }
0xab: {  	[dreg:$0x4] =	wrdreg $0xC0  }
0xac: {  	_ =	task [dreg:s8], $0x5FFFF  }
0xad: {  	[dreg:$0x1] =	wrdreg $0xFFFFFFFF  }
0xae: {  	[dreg:$0x0] =	wrdreg $0x60  }
0xaf: {  	[dreg:$0x2] =	wrdreg s2  }
0xb0: {  	[dreg:$0x3] =	wrdreg s18  }
0xb1: {  	[dreg:$0x4] =	wrdreg s24  }
0xb2: {  	[dreg:$0x5] =	wrdreg $0x9  }
0xb3: {  	_ =	task.clear_ibuf [dreg:s8], $0x6FFFF;
	_ =	strace $0x90000046  }
0xb4: {  	s29 =	simm.s32 $0x9;
	_ =	strace $0x80000048  }
0xb5: {  	_ =	swait.ge [sflag:s29], $0x1  }
0xb6: {  	[sflag:s29] =	ssyncadd.s32 $0xFFFFFFFF  }
0xb7: {  	_ =	strace $0x90000048  }
0xb8: {  	_ =	sfence  }
0xb9: {  	s30 =	sld [smem:$0x0];
	_ =	sdelay $0x2  }
0xba: {  	s31 =	sshll.u32 s1, $0xD;
	s1 =	sshrl.u32 s1, $0x2  }
0xbb: {  	s3 =	sand.u32 $0x4000, s31;
	s1 =	sadd.s32 s1, s30  }
0xbc: {  	s0 =	sor.u32 s3, s0;
	s1 =	sshll.u32 s1, $0x11  }
0xbd: {  	s0 =	sor.u32 s1, s0  }
0xbe: {  	s0 =	sadd.s32 $0x8F2B, s0  }
0xbf: {  	[sflag:s0] =	ssyncadd.remote.s32 $0x1  }
0xc0: {  	_ =	sfence.sel $0xFFFF  }
0xc1: {  	[dreg:$0x0] =	wrdreg $0xFFFFFFFF;
	(pc) =	sbr.abs _section_cstart, $3  }
0xc2: {  	[dreg:$0x1] =	wrdreg $0xFFFFFFFF  }
0xc3: {  	_ =	task.clear_ibuf [dreg:s8], $0x2FFFF;
	_ =	strace $0x9FFFFFFF  }
0xc4: {  	(tm) =	ssettm $0x7FFFFFFF  }
0xc5: {  	_ =	shalt  }
tec
execute0_lowered:
.L_overlay_start_1:
0x0: {  	(tag) =	ssettag $0x1  }
0x1: {  	s0 =	rddreg [dreg:$0x0]  }
0x2: {  	s2 =	rddreg [dreg:$0x1]  }
0x3: {  	s1 =	rddreg [dreg:$0x2];
	s3 =	srdreg.scid  }
0x4: {  	s5 =	stileid.u32;
	s8 =	simm.s32 $0x3;
	s9 =	simm.s32 $0x80  }
0x5: {  	s10 =	simm.s32 $0x1C00;
	s11 =	simm.s32 $0x5C00;
	s13 =	simm.s32 $0x400  }
0x6: {  	s15 =	simm.s32 $0x1800;
	s16 =	simm.s32 $0x1;
	s17 =	simm.s32 $0x2  }
0x7: {  	s20 =	simm.s32 $0x1280;
	s21 =	simm.s32 $0x1300;
	s22 =	simm.s32 $0x1380  }
0x8: {  	s23 =	simm.s32 $0x1400;
	s24 =	simm.s32 $0x1480;
	s25 =	simm.s32 $0x1500  }
0x9: {  	s26 =	simm.s32 $0x1580;
	s28 =	simm.s32 $0x1600;
	s29 =	simm.s32 $0x1680  }
0xa: {  	s30 =	simm.s32 $0x1700;
	s31 =	simm.s32 $0x1780;
	s4 =	sand.u32 $0x1, s3  }
0xb: {  	s3 =	simm.s32 $0x0;
	s5 =	sshll.u32 s5, $0x8;
	s6 =	sshll.u32 s4, $0x7  }
0xc: {  	[smem:$0x7FF] =	sst s3;
	s4 =	ssub.s32 $0x2, s4;
	s5 =	sor.u32 s6, s5  }
0xd: {  	_ =	strace $0x80000047;
	s7 =	sshrl.u32 s4, $0x1;
	s6 =	sshll.u32 s5, $0x4  }
0xe: {  	s7 =	ssub.s32 s4, s7;
	s4 =	sadd.s32 s0, s5;
	s0 =	simm.s32 $0x1880  }
0xf: {  	s1 =	sadd.s32 s6, s1;
	s5 =	sadd.s32 $0x1000, s4;
	s7 =	smax.u32 s7, $0x1  }
0x10: {  	s6 =	sadd.s32 $0x1000, s1;
	s14 =	sadd.s32 $0x5000, s5;
	s1 =	simm.s32 $0x0  }
.LBB2_1:
0x11: {  	[tilespmem:s3], [sflag:$0x3] =	stream.linear.gather [hbm4b:s4+s3], $0x400, $0x38;
	[tilespmem:$0x9C00] =	vst v63  }
0x12: {  	_ =	swait.ge [sflag:s8], $0x400  }
0x13: {  	[sflag:s8] =	ssyncset.done $0x0  }
0x14: {  	[sflag:s8] =	ssyncadd.s32 $0xFFFFFC00  }
0x15: {  	[tilespmem:s10], [sflag:$0x1] =	stream.indirect.gather [hbm4b:s2+s9], $0x80, s3, s9, $0xb8;
	[tilespmem:$0x9C00] =	vst v63  }
0x16: {  	_ = 	snop  }
0x17: {  	[tilespmem:s11], [sflag:$0x2] =	stream.indirect.gather [hbm4b:s2+s9], $0x80, s9, s9, $0xb8;
	[tilespmem:$0x9C00] =	vst v63  }
0x18: {  	s12 =	simm.s32 $0x8000  }
0x19: {  	[tilespmem:s13], [sflag:$0x3] =	stream.strided.gather [hbm4b:s5+s13], $0x1400, s12, s13, $0x38;
	[tilespmem:$0x9C00] =	vst v63  }
0x1a: {  	_ = 	snop  }
0x1b: {  	[tilespmem:s15], [sflag:$0x3] =	stream.linear.gather [hbm4b:s14+s3], $0x100, $0x38;
	[tilespmem:$0x9C00] =	vst v63  }
0x1c: {  	_ =	swait.ge [sflag:s8], $0x1500  }
0x1d: {  	[sflag:s8] =	ssyncset.done $0x0  }
0x1e: {  	[sflag:s8] =	ssyncadd.s32 $0xFFFFEB00  }
0x1f: {  	_ =	swait.ge [sflag:s16], $0x4000  }
0x20: {  	[sflag:s16] =	ssyncset.done $0x0  }
0x21: {  	[sflag:s16] =	ssyncadd.s32 $0xFFFFC000  }
0x22: {  	_ =	swait.ge [sflag:s17], $0x4000  }
0x23: {  	[sflag:s17] =	ssyncset.done $0x0  }
0x24: {  	s18 =	simm.s32 $0x100;
	[sflag:s17] =	ssyncadd.s32 $0xFFFFC000  }
0x25: {  	[tilespmem:s10], [sflag:$0x1] =	stream.indirect.gather.add.f32 [hbm:s2], $0x80, s18, s9, $0xb8;
	[tilespmem:$0x9C00] =	vst v63  }
0x26: {  	s19 =	simm.s32 $0x180  }
0x27: {  	[tilespmem:s11], [sflag:$0x2] =	stream.indirect.gather.add.f32 [hbm:s2], $0x80, s19, s9, $0xb8;
	[tilespmem:$0x9C00] =	vst v63  }
0x28: {  	s18 =	simm.s32 $0x200  }
0x29: {  	[tilespmem:s10], [sflag:$0x1] =	stream.indirect.gather.add.f32 [hbm:s2], $0x80, s18, s9, $0xb8;
	[tilespmem:$0x9C00] =	vst v63  }
0x2a: {  	s19 =	simm.s32 $0x280  }
0x2b: {  	[tilespmem:s11], [sflag:$0x2] =	stream.indirect.gather.add.f32 [hbm:s2], $0x80, s19, s9, $0xb8;
	[tilespmem:$0x9C00] =	vst v63  }
0x2c: {  	s18 =	simm.s32 $0x300  }
0x2d: {  	[tilespmem:s10], [sflag:$0x1] =	stream.indirect.gather.add.f32 [hbm:s2], $0x80, s18, s9, $0xb8;
	[tilespmem:$0x9C00] =	vst v63  }
0x2e: {  	s19 =	simm.s32 $0x380  }
0x2f: {  	[tilespmem:s11], [sflag:$0x2] =	stream.indirect.gather.add.f32 [hbm:s2], $0x80, s19, s9, $0xb8;
	[tilespmem:$0x9C00] =	vst v63  }
0x30: {  	_ = 	snop  }
0x31: {  	[tilespmem:s10], [sflag:$0x1] =	stream.indirect.gather.add.f32 [hbm:s2], $0x80, s13, s9, $0xb8;
	[tilespmem:$0x9C00] =	vst v63  }
0x32: {  	s18 =	simm.s32 $0x480  }
0x33: {  	[tilespmem:s11], [sflag:$0x2] =	stream.indirect.gather.add.f32 [hbm:s2], $0x80, s18, s9, $0xb8;
	[tilespmem:$0x9C00] =	vst v63  }
0x34: {  	s19 =	simm.s32 $0x500  }
0x35: {  	[tilespmem:s10], [sflag:$0x1] =	stream.indirect.gather.add.f32 [hbm:s2], $0x80, s19, s9, $0xb8;
	[tilespmem:$0x9C00] =	vst v63  }
0x36: {  	s18 =	simm.s32 $0x580  }
0x37: {  	[tilespmem:s11], [sflag:$0x2] =	stream.indirect.gather.add.f32 [hbm:s2], $0x80, s18, s9, $0xb8;
	[tilespmem:$0x9C00] =	vst v63  }
0x38: {  	s19 =	simm.s32 $0x600  }
0x39: {  	[tilespmem:s10], [sflag:$0x1] =	stream.indirect.gather.add.f32 [hbm:s2], $0x80, s19, s9, $0xb8;
	[tilespmem:$0x9C00] =	vst v63  }
0x3a: {  	s18 =	simm.s32 $0x680  }
0x3b: {  	[tilespmem:s11], [sflag:$0x2] =	stream.indirect.gather.add.f32 [hbm:s2], $0x80, s18, s9, $0xb8;
	[tilespmem:$0x9C00] =	vst v63  }
0x3c: {  	s19 =	simm.s32 $0x700  }
0x3d: {  	[tilespmem:s10], [sflag:$0x1] =	stream.indirect.gather.add.f32 [hbm:s2], $0x80, s19, s9, $0xb8;
	[tilespmem:$0x9C00] =	vst v63  }
0x3e: {  	s18 =	simm.s32 $0x780  }
0x3f: {  	[tilespmem:s11], [sflag:$0x2] =	stream.indirect.gather.add.f32 [hbm:s2], $0x80, s18, s9, $0xb8;
	[tilespmem:$0x9C00] =	vst v63  }
0x40: {  	s19 =	simm.s32 $0x800  }
0x41: {  	[tilespmem:s10], [sflag:$0x1] =	stream.indirect.gather.add.f32 [hbm:s2], $0x80, s19, s9, $0xb8;
	[tilespmem:$0x9C00] =	vst v63  }
0x42: {  	s18 =	simm.s32 $0x880  }
0x43: {  	[tilespmem:s11], [sflag:$0x2] =	stream.indirect.gather.add.f32 [hbm:s2], $0x80, s18, s9, $0xb8;
	[tilespmem:$0x9C00] =	vst v63  }
0x44: {  	s19 =	simm.s32 $0x900  }
0x45: {  	[tilespmem:s10], [sflag:$0x1] =	stream.indirect.gather.add.f32 [hbm:s2], $0x80, s19, s9, $0xb8;
	[tilespmem:$0x9C00] =	vst v63  }
0x46: {  	s18 =	simm.s32 $0x980  }
0x47: {  	[tilespmem:s11], [sflag:$0x2] =	stream.indirect.gather.add.f32 [hbm:s2], $0x80, s18, s9, $0xb8;
	[tilespmem:$0x9C00] =	vst v63  }
0x48: {  	s19 =	simm.s32 $0xA00  }
0x49: {  	[tilespmem:s10], [sflag:$0x1] =	stream.indirect.gather.add.f32 [hbm:s2], $0x80, s19, s9, $0xb8;
	[tilespmem:$0x9C00] =	vst v63  }
0x4a: {  	s18 =	simm.s32 $0xA80  }
0x4b: {  	[tilespmem:s11], [sflag:$0x2] =	stream.indirect.gather.add.f32 [hbm:s2], $0x80, s18, s9, $0xb8;
	[tilespmem:$0x9C00] =	vst v63  }
0x4c: {  	s19 =	simm.s32 $0xB00  }
0x4d: {  	[tilespmem:s10], [sflag:$0x1] =	stream.indirect.gather.add.f32 [hbm:s2], $0x80, s19, s9, $0xb8;
	[tilespmem:$0x9C00] =	vst v63  }
0x4e: {  	s18 =	simm.s32 $0xB80  }
0x4f: {  	[tilespmem:s11], [sflag:$0x2] =	stream.indirect.gather.add.f32 [hbm:s2], $0x80, s18, s9, $0xb8;
	[tilespmem:$0x9C00] =	vst v63  }
0x50: {  	s19 =	simm.s32 $0xC00  }
0x51: {  	[tilespmem:s10], [sflag:$0x1] =	stream.indirect.gather.add.f32 [hbm:s2], $0x80, s19, s9, $0xb8;
	[tilespmem:$0x9C00] =	vst v63  }
0x52: {  	s18 =	simm.s32 $0xC80  }
0x53: {  	[tilespmem:s11], [sflag:$0x2] =	stream.indirect.gather.add.f32 [hbm:s2], $0x80, s18, s9, $0xb8;
	[tilespmem:$0x9C00] =	vst v63  }
0x54: {  	s19 =	simm.s32 $0xD00  }
0x55: {  	[tilespmem:s10], [sflag:$0x1] =	stream.indirect.gather.add.f32 [hbm:s2], $0x80, s19, s9, $0xb8;
	[tilespmem:$0x9C00] =	vst v63  }
0x56: {  	s18 =	simm.s32 $0xD80  }
0x57: {  	[tilespmem:s11], [sflag:$0x2] =	stream.indirect.gather.add.f32 [hbm:s2], $0x80, s18, s9, $0xb8;
	[tilespmem:$0x9C00] =	vst v63  }
0x58: {  	s19 =	simm.s32 $0xE00  }
0x59: {  	[tilespmem:s10], [sflag:$0x1] =	stream.indirect.gather.add.f32 [hbm:s2], $0x80, s19, s9, $0xb8;
	[tilespmem:$0x9C00] =	vst v63  }
0x5a: {  	s18 =	simm.s32 $0xE80  }
0x5b: {  	[tilespmem:s11], [sflag:$0x2] =	stream.indirect.gather.add.f32 [hbm:s2], $0x80, s18, s9, $0xb8;
	[tilespmem:$0x9C00] =	vst v63  }
0x5c: {  	s19 =	simm.s32 $0xF00  }
0x5d: {  	[tilespmem:s10], [sflag:$0x1] =	stream.indirect.gather.add.f32 [hbm:s2], $0x80, s19, s9, $0xb8;
	[tilespmem:$0x9C00] =	vst v63  }
0x5e: {  	s18 =	simm.s32 $0xF80  }
0x5f: {  	[tilespmem:s11], [sflag:$0x2] =	stream.indirect.gather.add.f32 [hbm:s2], $0x80, s18, s9, $0xb8;
	[tilespmem:$0x9C00] =	vst v63  }
0x60: {  	s19 =	simm.s32 $0x1000  }
0x61: {  	[tilespmem:s10], [sflag:$0x1] =	stream.indirect.gather.add.f32 [hbm:s2], $0x80, s19, s9, $0xb8;
	[tilespmem:$0x9C00] =	vst v63  }
0x62: {  	s18 =	simm.s32 $0x1080  }
0x63: {  	[tilespmem:s11], [sflag:$0x2] =	stream.indirect.gather.add.f32 [hbm:s2], $0x80, s18, s9, $0xb8;
	[tilespmem:$0x9C00] =	vst v63  }
0x64: {  	s19 =	simm.s32 $0x1100  }
0x65: {  	[tilespmem:s10], [sflag:$0x1] =	stream.indirect.gather.add.f32 [hbm:s2], $0x80, s19, s9, $0xb8;
	[tilespmem:$0x9C00] =	vst v63  }
0x66: {  	s18 =	simm.s32 $0x1180  }
0x67: {  	[tilespmem:s11], [sflag:$0x2] =	stream.indirect.gather.add.f32 [hbm:s2], $0x80, s18, s9, $0xb8;
	[tilespmem:$0x9C00] =	vst v63  }
0x68: {  	s19 =	simm.s32 $0x1200  }
0x69: {  	[tilespmem:s10], [sflag:$0x1] =	stream.indirect.gather.add.f32 [hbm:s2], $0x80, s19, s9, $0xb8;
	[tilespmem:$0x9C00] =	vst v63  }
0x6a: {  	_ = 	snop  }
0x6b: {  	[tilespmem:s11], [sflag:$0x2] =	stream.indirect.gather.add.f32 [hbm:s2], $0x80, s20, s9, $0xb8;
	[tilespmem:$0x9C00] =	vst v63  }
0x6c: {  	_ = 	snop  }
0x6d: {  	[tilespmem:s10], [sflag:$0x1] =	stream.indirect.gather.add.f32 [hbm:s2], $0x80, s21, s9, $0xb8;
	[tilespmem:$0x9C00] =	vst v63  }
0x6e: {  	_ = 	snop  }
0x6f: {  	[tilespmem:s11], [sflag:$0x2] =	stream.indirect.gather.add.f32 [hbm:s2], $0x80, s22, s9, $0xb8;
	[tilespmem:$0x9C00] =	vst v63  }
0x70: {  	_ = 	snop  }
0x71: {  	[tilespmem:s10], [sflag:$0x1] =	stream.indirect.gather.add.f32 [hbm:s2], $0x80, s23, s9, $0xb8;
	[tilespmem:$0x9C00] =	vst v63  }
0x72: {  	_ = 	snop  }
0x73: {  	[tilespmem:s11], [sflag:$0x2] =	stream.indirect.gather.add.f32 [hbm:s2], $0x80, s24, s9, $0xb8;
	[tilespmem:$0x9C00] =	vst v63  }
0x74: {  	_ = 	snop  }
0x75: {  	[tilespmem:s10], [sflag:$0x1] =	stream.indirect.gather.add.f32 [hbm:s2], $0x80, s25, s9, $0xb8;
	[tilespmem:$0x9C00] =	vst v63  }
0x76: {  	_ = 	snop  }
0x77: {  	[tilespmem:s11], [sflag:$0x2] =	stream.indirect.gather.add.f32 [hbm:s2], $0x80, s26, s9, $0xb8;
	[tilespmem:$0x9C00] =	vst v63  }
0x78: {  	_ = 	snop  }
0x79: {  	[tilespmem:s10], [sflag:$0x1] =	stream.indirect.gather.add.f32 [hbm:s2], $0x80, s28, s9, $0xb8;
	[tilespmem:$0x9C00] =	vst v63  }
0x7a: {  	_ = 	snop  }
0x7b: {  	[tilespmem:s11], [sflag:$0x2] =	stream.indirect.gather.add.f32 [hbm:s2], $0x80, s29, s9, $0xb8;
	[tilespmem:$0x9C00] =	vst v63  }
0x7c: {  	_ = 	snop  }
0x7d: {  	[tilespmem:s10], [sflag:$0x1] =	stream.indirect.gather.add.f32 [hbm:s2], $0x80, s30, s9, $0xb8;
	[tilespmem:$0x9C00] =	vst v63  }
0x7e: {  	_ = 	snop  }
0x7f: {  	[tilespmem:s11], [sflag:$0x2] =	stream.indirect.gather.add.f32 [hbm:s2], $0x80, s31, s9, $0xb8;
	[tilespmem:$0x9C00] =	vst v63  }
0x80: {  	_ = 	snop  }
0x81: {  	[tilespmem:s10], [sflag:$0x1] =	stream.indirect.gather.add.f32 [hbm:s2], $0x80, s15, s9, $0xb8;
	[tilespmem:$0x9C00] =	vst v63  }
0x82: {  	_ = 	snop  }
0x83: {  	[tilespmem:s11], [sflag:$0x2] =	stream.indirect.gather.add.f32 [hbm:s2], $0x80, s0, s9, $0xb8;
	[tilespmem:$0x9C00] =	vst v63  }
0x84: {  	_ =	swait.ge [sflag:s16], $0x4000  }
0x85: {  	[sflag:s16] =	ssyncset.done $0x0  }
0x86: {  	[sflag:s16] =	ssyncadd.s32 $0xFFFFC000  }
0x87: {  	_ =	swait.ge [sflag:s17], $0x4000  }
0x88: {  	[sflag:s17] =	ssyncset.done $0x0  }
0x89: {  	[sflag:s17] =	ssyncadd.s32 $0xFFFFC000  }
0x8a: {  	_ =	swait.ge [sflag:s16], $0x4000  }
0x8b: {  	[sflag:s16] =	ssyncset.done $0x0  }
0x8c: {  	[sflag:s16] =	ssyncadd.s32 $0xFFFFC000  }
0x8d: {  	_ =	swait.ge [sflag:s17], $0x4000  }
0x8e: {  	[sflag:s17] =	ssyncset.done $0x0  }
0x8f: {  	[sflag:s17] =	ssyncadd.s32 $0xFFFFC000  }
0x90: {  	_ =	swait.ge [sflag:s16], $0x4000  }
0x91: {  	[sflag:s16] =	ssyncset.done $0x0  }
0x92: {  	[sflag:s16] =	ssyncadd.s32 $0xFFFFC000  }
0x93: {  	_ =	swait.ge [sflag:s17], $0x4000  }
0x94: {  	[sflag:s17] =	ssyncset.done $0x0  }
0x95: {  	[sflag:s17] =	ssyncadd.s32 $0xFFFFC000  }
0x96: {  	_ =	swait.ge [sflag:s16], $0x4000  }
0x97: {  	[sflag:s16] =	ssyncset.done $0x0  }
0x98: {  	[sflag:s16] =	ssyncadd.s32 $0xFFFFC000  }
0x99: {  	_ =	swait.ge [sflag:s17], $0x4000  }
0x9a: {  	[sflag:s17] =	ssyncset.done $0x0  }
0x9b: {  	[sflag:s17] =	ssyncadd.s32 $0xFFFFC000  }
0x9c: {  	_ =	swait.ge [sflag:s16], $0x4000  }
0x9d: {  	[sflag:s16] =	ssyncset.done $0x0  }
0x9e: {  	[sflag:s16] =	ssyncadd.s32 $0xFFFFC000  }
0x9f: {  	_ =	swait.ge [sflag:s17], $0x4000  }
0xa0: {  	[sflag:s17] =	ssyncset.done $0x0  }
0xa1: {  	[sflag:s17] =	ssyncadd.s32 $0xFFFFC000  }
0xa2: {  	_ =	swait.ge [sflag:s16], $0x4000  }
0xa3: {  	[sflag:s16] =	ssyncset.done $0x0  }
0xa4: {  	[sflag:s16] =	ssyncadd.s32 $0xFFFFC000  }
0xa5: {  	_ =	swait.ge [sflag:s17], $0x4000  }
0xa6: {  	[sflag:s17] =	ssyncset.done $0x0  }
0xa7: {  	[sflag:s17] =	ssyncadd.s32 $0xFFFFC000  }
0xa8: {  	_ =	swait.ge [sflag:s16], $0x4000  }
0xa9: {  	[sflag:s16] =	ssyncset.done $0x0  }
0xaa: {  	[sflag:s16] =	ssyncadd.s32 $0xFFFFC000  }
0xab: {  	_ =	swait.ge [sflag:s17], $0x4000  }
0xac: {  	[sflag:s17] =	ssyncset.done $0x0  }
0xad: {  	[sflag:s17] =	ssyncadd.s32 $0xFFFFC000  }
0xae: {  	_ =	swait.ge [sflag:s16], $0x4000  }
0xaf: {  	[sflag:s16] =	ssyncset.done $0x0  }
0xb0: {  	[sflag:s16] =	ssyncadd.s32 $0xFFFFC000  }
0xb1: {  	_ =	swait.ge [sflag:s17], $0x4000  }
0xb2: {  	[sflag:s17] =	ssyncset.done $0x0  }
0xb3: {  	[sflag:s17] =	ssyncadd.s32 $0xFFFFC000  }
0xb4: {  	_ =	swait.ge [sflag:s16], $0x4000  }
0xb5: {  	[sflag:s16] =	ssyncset.done $0x0  }
0xb6: {  	[sflag:s16] =	ssyncadd.s32 $0xFFFFC000  }
0xb7: {  	_ =	swait.ge [sflag:s17], $0x4000  }
0xb8: {  	[sflag:s17] =	ssyncset.done $0x0  }
0xb9: {  	[sflag:s17] =	ssyncadd.s32 $0xFFFFC000  }
0xba: {  	_ =	swait.ge [sflag:s16], $0x4000  }
0xbb: {  	[sflag:s16] =	ssyncset.done $0x0  }
0xbc: {  	[sflag:s16] =	ssyncadd.s32 $0xFFFFC000  }
0xbd: {  	_ =	swait.ge [sflag:s17], $0x4000  }
0xbe: {  	[sflag:s17] =	ssyncset.done $0x0  }
0xbf: {  	[sflag:s17] =	ssyncadd.s32 $0xFFFFC000  }
0xc0: {  	_ =	swait.ge [sflag:s16], $0x4000  }
0xc1: {  	[sflag:s16] =	ssyncset.done $0x0  }
0xc2: {  	[sflag:s16] =	ssyncadd.s32 $0xFFFFC000  }
0xc3: {  	_ =	swait.ge [sflag:s17], $0x4000  }
0xc4: {  	[sflag:s17] =	ssyncset.done $0x0  }
0xc5: {  	[sflag:s17] =	ssyncadd.s32 $0xFFFFC000  }
0xc6: {  	_ =	swait.ge [sflag:s16], $0x4000  }
0xc7: {  	[sflag:s16] =	ssyncset.done $0x0  }
0xc8: {  	[sflag:s16] =	ssyncadd.s32 $0xFFFFC000  }
0xc9: {  	_ =	swait.ge [sflag:s17], $0x4000  }
0xca: {  	[sflag:s17] =	ssyncset.done $0x0  }
0xcb: {  	[sflag:s17] =	ssyncadd.s32 $0xFFFFC000  }
0xcc: {  	_ =	swait.ge [sflag:s16], $0x4000  }
0xcd: {  	[sflag:s16] =	ssyncset.done $0x0  }
0xce: {  	[sflag:s16] =	ssyncadd.s32 $0xFFFFC000  }
0xcf: {  	_ =	swait.ge [sflag:s17], $0x4000  }
0xd0: {  	[sflag:s17] =	ssyncset.done $0x0  }
0xd1: {  	[sflag:s17] =	ssyncadd.s32 $0xFFFFC000  }
0xd2: {  	_ =	swait.ge [sflag:s16], $0x4000  }
0xd3: {  	[sflag:s16] =	ssyncset.done $0x0  }
0xd4: {  	[sflag:s16] =	ssyncadd.s32 $0xFFFFC000  }
0xd5: {  	_ =	swait.ge [sflag:s17], $0x4000  }
0xd6: {  	[sflag:s17] =	ssyncset.done $0x0  }
0xd7: {  	[sflag:s17] =	ssyncadd.s32 $0xFFFFC000  }
0xd8: {  	_ =	swait.ge [sflag:s16], $0x4000  }
0xd9: {  	[sflag:s16] =	ssyncset.done $0x0  }
0xda: {  	[sflag:s16] =	ssyncadd.s32 $0xFFFFC000  }
0xdb: {  	_ =	swait.ge [sflag:s17], $0x4000  }
0xdc: {  	[sflag:s17] =	ssyncset.done $0x0  }
0xdd: {  	[sflag:s17] =	ssyncadd.s32 $0xFFFFC000  }
0xde: {  	_ =	swait.ge [sflag:s16], $0x4000  }
0xdf: {  	[sflag:s16] =	ssyncset.done $0x0  }
0xe0: {  	[sflag:s16] =	ssyncadd.s32 $0xFFFFC000  }
0xe1: {  	_ =	swait.ge [sflag:s17], $0x4000  }
0xe2: {  	[sflag:s17] =	ssyncset.done $0x0  }
0xe3: {  	[sflag:s17] =	ssyncadd.s32 $0xFFFFC000  }
0xe4: {  	_ =	swait.ge [sflag:s16], $0x4000  }
0xe5: {  	[sflag:s16] =	ssyncset.done $0x0  }
0xe6: {  	[sflag:s16] =	ssyncadd.s32 $0xFFFFC000  }
0xe7: {  	_ =	swait.ge [sflag:s17], $0x4000  }
0xe8: {  	[sflag:s17] =	ssyncset.done $0x0  }
0xe9: {  	[sflag:s17] =	ssyncadd.s32 $0xFFFFC000  }
0xea: {  	_ =	swait.ge [sflag:s16], $0x4000  }
0xeb: {  	[sflag:s16] =	ssyncset.done $0x0  }
0xec: {  	[sflag:s16] =	ssyncadd.s32 $0xFFFFC000  }
0xed: {  	_ =	swait.ge [sflag:s17], $0x4000  }
0xee: {  	[sflag:s17] =	ssyncset.done $0x0  }
0xef: {  	[sflag:s17] =	ssyncadd.s32 $0xFFFFC000  }
0xf0: {  	_ =	swait.ge [sflag:s16], $0x4000  }
0xf1: {  	[sflag:s16] =	ssyncset.done $0x0  }
0xf2: {  	[sflag:s16] =	ssyncadd.s32 $0xFFFFC000  }
0xf3: {  	_ =	swait.ge [sflag:s17], $0x4000  }
0xf4: {  	[sflag:s17] =	ssyncset.done $0x0  }
0xf5: {  	[sflag:s17] =	ssyncadd.s32 $0xFFFFC000  }
0xf6: {  	_ =	swait.ge [sflag:s16], $0x4000  }
0xf7: {  	[sflag:s16] =	ssyncset.done $0x0  }
0xf8: {  	[sflag:s16] =	ssyncadd.s32 $0xFFFFC000  }
0xf9: {  	_ =	swait.ge [sflag:s17], $0x4000  }
0xfa: {  	[sflag:s17] =	ssyncset.done $0x0  }
0xfb: {  	[sflag:s17] =	ssyncadd.s32 $0xFFFFC000  }
0xfc: {  	_ =	swait.ge [sflag:s16], $0x4000  }
0xfd: {  	[sflag:s16] =	ssyncset.done $0x0  }
0xfe: {  	[sflag:s16] =	ssyncadd.s32 $0xFFFFC000  }
0xff: {  	_ =	swait.ge [sflag:s17], $0x4000  }
0x100: {  	[sflag:s17] =	ssyncset.done $0x0  }
0x101: {  	[sflag:s17] =	ssyncadd.s32 $0xFFFFC000  }
0x102: {  	_ =	swait.ge [sflag:s16], $0x4000  }
0x103: {  	[sflag:s16] =	ssyncset.done $0x0  }
0x104: {  	[sflag:s16] =	ssyncadd.s32 $0xFFFFC000  }
0x105: {  	_ =	swait.ge [sflag:s17], $0x4000  }
0x106: {  	[sflag:s17] =	ssyncset.done $0x0  }
0x107: {  	[sflag:s17] =	ssyncadd.s32 $0xFFFFC000  }
0x108: {  	_ =	swait.ge [sflag:s16], $0x4000  }
0x109: {  	[sflag:s16] =	ssyncset.done $0x0  }
0x10a: {  	[sflag:s16] =	ssyncadd.s32 $0xFFFFC000  }
0x10b: {  	_ =	swait.ge [sflag:s17], $0x4000  }
0x10c: {  	[sflag:s17] =	ssyncset.done $0x0  }
0x10d: {  	[sflag:s17] =	ssyncadd.s32 $0xFFFFC000  }
0x10e: {  	_ =	swait.ge [sflag:s16], $0x4000  }
0x10f: {  	[sflag:s16] =	ssyncset.done $0x0  }
0x110: {  	[sflag:s16] =	ssyncadd.s32 $0xFFFFC000  }
0x111: {  	_ =	swait.ge [sflag:s17], $0x4000  }
0x112: {  	[sflag:s17] =	ssyncset.done $0x0  }
0x113: {  	s12 =	simm.s32 $0x0;
	[sflag:s17] =	ssyncadd.s32 $0xFFFFC000  }
0x114: {  	v7 =	vld [tilespmem:s12+$0x5C00]  }
0x115: {  	v11 =	vld [tilespmem:s12+$0x5C10]  }
0x116: {  	v5 =	vld [tilespmem:s12+$0x5C20]  }
0x117: {  	v4 =	vld [tilespmem:s12+$0x5C30]  }
0x118: {  	v3 =	vld [tilespmem:s12+$0x5C40]  }
0x119: {  	v2 =	vld [tilespmem:s12+$0x5C50]  }
0x11a: {  	v1 =	vld [tilespmem:s12+$0x5C60]  }
0x11b: {  	v0 =	vld [tilespmem:s12+$0x5C70]  }
0x11c: {  	v12 =	vld [tilespmem:s12+$0x1C00]  }
0x11d: {  	v13 =	vld [tilespmem:s12+$0x1C10]  }
0x11e: {  	v10 =	vld [tilespmem:s12+$0x1C20]  }
0x11f: {  	v9 =	vld [tilespmem:s12+$0x1C30]  }
0x120: {  	v8 =	vld [tilespmem:s12+$0x1C40]  }
0x121: {  	v6 =	vld [tilespmem:s12+$0x1C50];
	v12 =	vadd.f32 v7, v12  }
0x122: {  	s18 =	simm.s32 $0x200;
	v11 =	vadd.f32 v11, v13;
	v7 =	vld [tilespmem:s12+$0x1C60]  }
.LBB2_2:
0x123: {  	s19 =	sshra.s32 s18, $0x2;
	p0 =	sne.s32 s18, $0xFE00;
	[tilespmem:s12+$0x1C00] =	vst v12;
	v5 =	vadd.f32 v5, v10;
	v10 =	vld [tilespmem:s12+$0x1C70]  }
0x124: {  	v12 =	vld [tilespmem:s19+$0x5C00];
	[tilespmem:s12+$0x1C10] =	vst v11;
	v4 =	vadd.f32 v4, v9  }
0x125: {  	v11 =	vld [tilespmem:s19+$0x5C10];
	[tilespmem:s12+$0x1C20] =	vst v5;
	v3 =	vadd.f32 v3, v8  }
0x126: {  	v5 =	vld [tilespmem:s19+$0x5C20];
	[tilespmem:s12+$0x1C30] =	vst v4;
	v2 =	vadd.f32 v2, v6  }
0x127: {  	v4 =	vld [tilespmem:s19+$0x5C30];
	[tilespmem:s12+$0x1C40] =	vst v3;
	v1 =	vadd.f32 v1, v7  }
0x128: {  	v3 =	vld [tilespmem:s19+$0x5C40];
	[tilespmem:s12+$0x1C50] =	vst v2;
	v0 =	vadd.f32 v0, v10  }
0x129: {  	v2 =	vld [tilespmem:s19+$0x5C50];
	[tilespmem:s12+$0x1C60] =	vst v1  }
0x12a: {  	v1 =	vld [tilespmem:s19+$0x5C60];
	[tilespmem:s12+$0x1C70] =	vst v0;
	s12 =	smov.u32 s19  }
0x12b: {  	v0 =	vld [tilespmem:s12+$0x5C70]  }
0x12c: {  	v6 =	vld [tilespmem:s12+$0x1C00]  }
0x12d: {  	v7 =	vld [tilespmem:s12+$0x1C10]  }
.Ltmp0:
0x12e: {  	v10 =	vld [tilespmem:s12+$0x1C20];
	(pc) =	sbr.rel @p0 .LBB2_2-.Ltmp0, $4  }
0x12f: {  	v9 =	vld [tilespmem:s12+$0x1C30]  }
0x130: {  	v8 =	vld [tilespmem:s12+$0x1C40]  }
0x131: {  	v12 =	vadd.f32 v12, v6;
	v6 =	vld [tilespmem:s12+$0x1C50]  }
0x132: {  	s18 =	sadd.s32 $0x200, s18;
	v11 =	vadd.f32 v11, v7;
	v7 =	vld [tilespmem:s12+$0x1C60]  }
0x133: {  	[tilespmem:s12+$0x1C00] =	vst v12;
	v5 =	vadd.f32 v5, v10;
	v63 =	vld [tilespmem:s12+$0x1C70]  }
0x134: {  	[tilespmem:s12+$0x1C10] =	vst v11;
	v4 =	vadd.f32 v4, v9  }
0x135: {  	[tilespmem:s12+$0x1C20] =	vst v5;
	v3 =	vadd.f32 v3, v8  }
0x136: {  	[tilespmem:s12+$0x1C30] =	vst v4;
	v2 =	vadd.f32 v2, v6  }
0x137: {  	[tilespmem:s12+$0x1C40] =	vst v3;
	v1 =	vadd.f32 v1, v7  }
0x138: {  	s1 =	sadd.s32 $0x1, s1;
	[tilespmem:s12+$0x1C50] =	vst v2;
	v0 =	vadd.f32 v0, v63  }
0x139: {  	p0 =	sne.s32 s1, s7;
	[tilespmem:s12+$0x1C60] =	vst v1  }
.Ltmp1:
0x13a: {  	[tilespmem:s12+$0x1C70] =	vst v0;
	(pc) =	sbr.rel @p0 .LBB2_1-.Ltmp1, $4  }
0x13b: {  	[hbm4b:s6+s3] =	stream.linear.scatter [tilespmem:s10], [sflag:$0x3], $0x4000, $0x38;
	[tilespmem:$0x9C00] =	vst v63  }
0x13c: {  	_ =	swait.ge [sflag:s8], $0x4000  }
0x13d: {  	[sflag:s8] =	ssyncset.done $0x0  }
0x13e: {  	[sflag:s8] =	ssyncadd.s32 $0xFFFFC000  }
0x13f: {  	_ =	sfence.sel $0x180000  }
0x140: {  	[bflag:$0x0] =	sbarrier.arrive $0xFFFF  }
0x141: {  	_ =	strace $0x90000047  }
0x142: {  	s0 =	stileid.u32;
	[bflag:$0x2] =	sbarrier.arrive $0xFFFF  }
0x143: {  	p0 =	sne.s32 s0, $0x0;
	s0 =	rddreg [dreg:$0x3]  }
0x144: {  	s0 =	sadd.s32 @!p0 $0x100000, s0  }
0x145: {  	[sflag:s0] =	ssyncadd.tile.s32 @!p0 $0x1;
	_ =	shalt  }
.Lfunc_end2:
_tile_overlayer_lowered:
.L_overlay_start_2:
0x146: {  	(tag) =	ssettag $0x2  }
0x147: {  	s0 =	rddreg [dreg:$0x0];
	s2 =	stileid.u32  }
0x148: {  	s1 =	rddreg [dreg:$0x1];
	p0 =	sne.s32 s2, $0x0  }
0x149: {  	s3 =	rddreg [dreg:$0x2];
	[bflag:$0x3] =	sbarrier.arrive $0xFFFF;
	s2 =	simm.s32 @!p0 $0x1C03  }
0x14a: {  	[timem:s3], [sflag:s2] =	dma.local @!p0 [hbm:s0], s1  }
0x14b: {  	s0 =	simm.s32 @!p0 $0x3  }
0x14c: {  	_ =	swait.ge @!p0 [sflag:s0], s1  }
0x14d: {  	s1 =	ssub.s32 @!p0 $0x0, s1;
	[sflag:s0] =	ssyncset.done @!p0 $0x0  }
0x14e: {  	[sflag:s0] =	ssyncadd.s32 @!p0 s1  }
0x14f: {  	[bflag:$0x3] =	sbarrier.arrive $0xFFFF  }
0x150: {  	_ =	shalt  }

</sc_bundles>
